<compile_context>
chip_gen: v7x
topology: tpu7x:2x2x1
jax: 0.10.2.dev20260603
libtpu: 0.0.44.dev20260713+nightly
codegen_flags: <defaults>
</compile_context>

<pallas_src>
import base64
import functools

import jax
import jax.numpy as jnp
import numpy as np
from jax import lax
from jax.experimental import pallas as pl
from jax.experimental.pallas import tpu as pltpu
from jax.experimental.pallas import tpu_sc as plsc

_B = 64
_S = 7
_CELLS = _B * _S * _S
_CH = 30
_NW = 16
_BPW = _B // _NW
_CPW = _CELLS // _NW
_FPW = _CPW * _CH
_GROUPS = (_CPW + 15) // 16
_NACC = 11
_ACCW = _NACC * 16
_NCW = 112

_COIN_B64 = (
    "1mx/t+uCj9LiwBtIkWbPYRELjGEGYPUi0/SpqtO3MW2I2mJ8smTKUo+DIXMdd166eIJcOzNX"
    "TdG9GAXHCZxvrLLRpf8sIxzkleMfiPhHMdBpLXMZgPeDiXj+8CLQsz3EEVF1+1/OqbA+uVzk"
    "GHVW2sV3pbDTb3xEshyFHhRbu6jDyotFyHwe2fM3ZlUnZSlG6Sf/7/bXVmiPApwViHmfvmsE"
    "LZrTCqE3Q2MRytpL/NyKlDvu2GwebpfqhiQgTdhW26hciWiCHyXEAPYx2wQ2Iu5erFjTGia0"
    "mQZicnWQuoYqfLuIqVM+JRnjA4q/jvH45Uos1gZgYdN4Jfsgqwpu1SsAMZ2GQdn4dfUVCntX"
    "ss9ncFKjuSgzdp1c+bZpOmNYM2Wqgb8bKtgglXRWw+WmTgfZerIunQzq33fr0DgDcuGetDmA"
    "HWU7EhEGqPyBdr/bAB4omh61OMw5pTKc/t9xwfIMaZDc3Wp0Bddn6sVu5sFc4PkfvNR7IoOj"
    "UeY8LOLUjBPdityAZJA="
)


@functools.cache
def _coin_words():
    bits = np.unpackbits(
        np.frombuffer(base64.b64decode(_COIN_B64), dtype=np.uint8))[:_CELLS]
    words = np.packbits(
        np.pad(bits, (0, _NCW * 32 - _CELLS)).reshape(-1, 32),
        axis=1, bitorder="little").view("<u4").reshape(-1)
    return [[int(w) - (1 << 32) if w >= (1 << 31) else int(w) for w in row]
            for row in words.astype(np.int64).reshape(7, 16)]


def _sc_body(pred_hbm, targ_hbm, out0, out1, out2, out3,
             pred_v, targ_v, coinw_v, acc_v, shared_v, big_v, out_v,
             sem0, sem1):
    cid = lax.axis_index("c")
    sid = lax.axis_index("s")

    cp = pltpu.async_copy(pred_hbm.at[pl.ds(sid * _FPW, _FPW)], pred_v, sem0)
    ct = pltpu.async_copy(targ_hbm.at[pl.ds(sid * _FPW, _FPW)], targ_v, sem1)

    lane = lax.broadcasted_iota(jnp.int32, (16,), 0)
    zero = jnp.zeros((16,), jnp.float32)

    cw = _coin_words()
    for k in range(7):
        vec = jnp.full((16,), cw[k][0], jnp.int32)
        for l in range(1, 16):
            vec = jnp.where(lane == l, jnp.int32(cw[k][l]), vec)
        plsc.store_scatter(coinw_v, [lane + k * 16], vec)
    cp.wait()
    ct.wait()

    def group_body(g, carry):
        (n1, n2, nn, s1loc, s2loc, s1obj, s2obj, s1cls, s2cls, sn4, sn9) = carry
        cbase = g * 16 + lane
        valid = cbase < _CPW
        ccl = jnp.minimum(cbase, _CPW - 1)
        col0 = ccl * _CH

        def gat(ref, j):
            return plsc.load_gather(ref, [col0 + j])

        qloc1 = zero
        qloc2 = zero
        qcls = zero
        kept_p = {}
        kept_t = {}
        for j in range(_CH):
            p = gat(pred_v, j)
            t = gat(targ_v, j)
            if j == 4 or j == 9:
                kept_p[j] = p
                kept_t[j] = t
                continue
            d = p - t
            if j < 4:
                qloc1 = qloc1 + d * d
            elif j < 9:
                qloc2 = qloc2 + d * d
            else:
                qcls = qcls + d * d

        cg = sid * _CPW + ccl
        word = plsc.load_gather(coinw_v, [lax.div(cg, 32)])
        bit = lax.shift_right_logical(word, lax.rem(cg, 32)) & 1
        pick1 = bit > 0

        t4 = kept_t[4]
        t9 = kept_t[9]
        obj = t4 > 0.0
        t4p = jnp.where(obj & jnp.logical_not(pick1), 0.0, t4)
        t9p = jnp.where(obj & pick1, 0.0, t9)
        m1 = jnp.where((t4p > 0.0) & valid, 1.0, 0.0)
        m2 = jnp.where((t9p > 0.0) & valid, 1.0, 0.0)
        mn = jnp.where((t4p == 0.0) & (t9p == 0.0) & valid, 1.0, 0.0)
        d24 = (kept_p[4] - t4p) * (kept_p[4] - t4p)
        d29 = (kept_p[9] - t9p) * (kept_p[9] - t9p)

        return (n1 + m1, n2 + m2, nn + mn,
                s1loc + m1 * qloc1, s2loc + m2 * qloc2,
                s1obj + m1 * d24, s2obj + m2 * d29,
                s1cls + m1 * qcls, s2cls + m2 * qcls,
                sn4 + mn * d24, sn9 + mn * d29)

    init = tuple(zero for _ in range(_NACC))
    parts = plsc.parallel_loop(0, _GROUPS, unroll=2, carry=init)(group_body)

    mine = zero
    for i in range(_NACC):
        mine = jnp.where(lane == i, jnp.sum(parts[i]), mine)
    plsc.store_scatter(acc_v, [lane], mine)
    pltpu.sync_copy(acc_v, shared_v.at[pl.ds(sid * 16, 16)])
    plsc.subcore_barrier()

    @pl.when((cid == 0) & (sid == 0))
    def _():
        pltpu.sync_copy(shared_v, big_v)
        tot = zero
        for w in range(_NW):
            tot = tot + plsc.load_gather(big_v, [lane + w * 16])
        n1, n2, nn, s1loc, s2loc, s1obj, s2obj, s1cls, s2cls, sn4, sn9 = (
            jnp.sum(jnp.where(lane == i, tot, 0.0)) for i in range(_NACC))

        def lanes(vals, default):
            out = jnp.full((16,), default, jnp.float32)
            for k, v in reversed(list(enumerate(vals))):
                out = jnp.where(lane == k, v, out)
            return out

        num1 = lanes([s1loc, s1cls, s1obj, sn4 + sn9], 0.0)
        den1 = lanes([4.0 * n1, 20.0 * n1, n1, nn], 1.0)
        num2 = lanes([s2loc, s2cls, s2obj], 0.0)
        den2 = lanes([4.0 * n2, 20.0 * n2, n2], 1.0)
        scale = lanes([5.0 / _B, 1.0 / _B, 1.0 / _B, 0.5 / _B], 0.0)
        res = (num1 / den1 + num2 / den2) * scale
        plsc.store_scatter(out_v, [lane * 16], res)
        pltpu.sync_copy(out_v.at[pl.ds(0, 1)], out0)
        pltpu.sync_copy(out_v.at[pl.ds(16, 1)], out1)
        pltpu.sync_copy(out_v.at[pl.ds(32, 1)], out2)
        pltpu.sync_copy(out_v.at[pl.ds(48, 1)], out3)


@functools.cache
def _build_sc_kernel():
    mesh = plsc.VectorSubcoreMesh(core_axis_name="c", subcore_axis_name="s",
                                  num_cores=1)
    one = jax.ShapeDtypeStruct((1,), jnp.float32)
    return pl.kernel(
        _sc_body,
        mesh=mesh,
        compiler_params=pltpu.CompilerParams(needs_layout_passes=False),
        out_type=(one, one, one, one),
        scratch_types=[
            pltpu.VMEM((_FPW,), jnp.float32),
            pltpu.VMEM((_FPW,), jnp.float32),
            pltpu.VMEM((_NCW,), jnp.int32),
            pltpu.VMEM((16,), jnp.float32),
            pltpu.VMEM_SHARED((_NW * 16,), jnp.float32),
            pltpu.VMEM((_NW * 16,), jnp.float32),
            pltpu.VMEM((64,), jnp.float32),
            pltpu.SemaphoreType.DMA,
            pltpu.SemaphoreType.DMA,
        ],
    )


def kernel(pred, target):
    o0, o1, o2, o3 = _build_sc_kernel()(pred.reshape(-1), target.reshape(-1))
    return (o0.reshape(()), o1.reshape(()), o2.reshape(()), o3.reshape(()))

# --- scband reference (transcript-rebuilt; emitter-appended) ---
"""Pipeline reference for scband-yololoss-84018150244766 (READ-ONLY COPY).

The authoritative reference and input builder live on the scoring server;
editing this copy changes nothing except your own understanding.
"""

import jax, jax.numpy as jnp
import numpy as np

IMG_SIZE = 448
S = 7
L_COORD = 5.0
L_NOOBJ = 0.5
CELL = IMG_SIZE // S


def _iou(b1, b2):
    x1 = jnp.maximum(b1[0], b2[0])
    y1 = jnp.maximum(b1[1], b2[1])
    x2 = jnp.minimum(b1[2], b2[2])
    y2 = jnp.minimum(b1[3], b2[3])
    inter = jnp.maximum(0.0, x2 - x1 + 1.0) * jnp.maximum(0.0, y2 - y1 + 1.0)
    a1 = (b1[2] - b1[0] + 1.0) * (b1[3] - b1[1] + 1.0)
    a2 = (b2[2] - b2[0] + 1.0) * (b2[3] - b2[1] + 1.0)
    return inter / (a1 + a2 - inter)


def _box(tx, ty, w, h, cgrid, rgrid):
    cx = (tx + cgrid) * CELL
    cy = (ty + rgrid) * CELL
    w2 = w ** 2
    h2 = h ** 2
    return (cx - jnp.floor_divide(w2, 2.0), cy - jnp.floor_divide(h2, 2.0),
            cx + jnp.floor_divide(w2, 2.0), cy + jnp.floor_divide(h2, 2.0))


def _responsible_masking(pred, target):
    b, c_dim, r_dim, _ = target.shape
    cgrid = jnp.arange(c_dim, dtype=jnp.float32)[None, :, None]
    rgrid = jnp.arange(r_dim, dtype=jnp.float32)[None, None, :]
    obj = target[..., 4] > 0
    # NOTE: original torch code reads pred[b,c,r,:4] for BOTH candidate boxes (a bug kept faithfully),
    # so iou1 == iou2 always and the tie is broken by a random coin flip.
    box1 = _box(pred[..., 0], pred[..., 1], pred[..., 2], pred[..., 3], cgrid, rgrid)
    box2 = _box(pred[..., 0], pred[..., 1], pred[..., 2], pred[..., 3], cgrid, rgrid)
    gbox = _box(target[..., 0], target[..., 1], target[..., 2], target[..., 3], cgrid, rgrid)
    iou1 = _iou(box1, gbox)
    iou2 = _iou(box2, gbox)
    coin = jax.random.uniform(jax.random.key(1234), obj.shape) > 0.5
    pick1 = (iou1 > iou2) | ((iou1 == iou2) & coin)
    zero9 = obj & pick1
    zero4 = obj & (~pick1)
    target = target.at[..., 9].set(jnp.where(zero9, 0.0, target[..., 9]))
    target = target.at[..., 4].set(jnp.where(zero4, 0.0, target[..., 4]))
    return pred, target


def _masked_mse(p, t, mask):
    # equivalent to nn.MSELoss() (mean reduction) over the boolean-gathered rows
    d2 = (p - t) ** 2
    if d2.ndim == mask.ndim + 1:
        n = jnp.sum(mask) * d2.shape[-1]
        s = jnp.sum(d2 * mask[..., None])
    else:
        n = jnp.sum(mask)
        s = jnp.sum(d2 * mask)
    return s / n


def setup_inputs(seed: int = 0):
    key = jax.random.key(seed)
    k1, k2 = jax.random.split(key)
    pred = jax.random.normal(k1, (64, 7, 7, 30), dtype=jnp.float32)
    target = jax.random.randint(k2, (64, 7, 7, 30), 0, 2).astype(jnp.float32)
    return {"pred": pred, "target": target}


def reference(pred, target):
    bs = pred.shape[0]
    pred, target = _responsible_masking(pred, target)
    m1 = (target[..., 4] > 0).astype(jnp.float32)
    m2 = (target[..., 9] > 0).astype(jnp.float32)
    mn = ((target[..., 4] == 0) & (target[..., 9] == 0)).astype(jnp.float32)
    loc_loss = _masked_mse(pred[..., :4], target[..., :4], m1) + _masked_mse(pred[..., 5:9], target[..., 5:9], m2)
    obj_loss = _masked_mse(pred[..., 4], target[..., 4], m1) + _masked_mse(pred[..., 9], target[..., 9], m2)
    cls_loss = _masked_mse(pred[..., 10:], target[..., 10:], m1) + _masked_mse(pred[..., 10:], target[..., 10:], m2)
    noobj_loss = _masked_mse(pred[..., 4], target[..., 4], mn) + _masked_mse(pred[..., 9], target[..., 9], mn)
    return (L_COORD * loc_loss / bs, cls_loss / bs, obj_loss / bs, L_NOOBJ * noobj_loss / bs)

if __name__ == "__main__":
    import jax
    _d = setup_inputs()
    print(jax.jit(kernel)(*tuple(_d.values())))

</pallas_src>

<mosaic_0001>
#map = affine_map<(d0, d1) -> (0)>
module attributes {stable_mosaic.version = 14 : i64} {
  func.func @_sc_body(%arg0: i32, %arg1: i32, %arg2: memref<94080xf32, #tpu.memory_space<hbm>>, %arg3: memref<94080xf32, #tpu.memory_space<hbm>>, %arg4: memref<1xf32, #tpu.memory_space<hbm>>, %arg5: memref<1xf32, #tpu.memory_space<hbm>>, %arg6: memref<1xf32, #tpu.memory_space<hbm>>, %arg7: memref<1xf32, #tpu.memory_space<hbm>>, %arg8: memref<5880xf32, #tpu.memory_space<vmem>>, %arg9: memref<5880xf32, #tpu.memory_space<vmem>>, %arg10: memref<112xi32, #tpu.memory_space<vmem>>, %arg11: memref<16xf32, #tpu.memory_space<vmem>>, %arg12: memref<256xf32, #tpu.memory_space<vmem_shared>>, %arg13: memref<256xf32, #tpu.memory_space<vmem>>, %arg14: memref<64xf32, #tpu.memory_space<vmem>>, %arg15: memref<!tpu.dma_semaphore, #tpu.memory_space<semaphore_mem>>, %arg16: memref<!tpu.dma_semaphore, #tpu.memory_space<semaphore_mem>>) attributes {dimension_semantics = [#tpu.dimension_semantics<core_parallel>, #tpu.dimension_semantics<subcore_parallel>], iteration_bounds = array<i64: 1, 16>, scalar_prefetch = 0 : i64, scratch_operands = 9 : i64, tpu.core_type = #tpu.core_type<sc_vector_subcore>, window_params = [{transform_indices = #map}, {transform_indices = #map}, {transform_indices = #map}, {transform_indices = #map}, {transform_indices = #map}, {transform_indices = #map}]} {
    %mul3A = arith.constant 5880 : i32
    %mul3A_0 = arith.muli %arg1, %mul3A : i32
    %dma_start3A = tpu.memref_slice %arg2[%mul3A_0] : memref<94080xf32, #tpu.memory_space<hbm>> -> memref<5880xf32, #tpu.memory_space<hbm>>
    %dma_start3A_1 = tpu.memref_slice %arg2[%mul3A_0] : memref<94080xf32, #tpu.memory_space<hbm>> -> memref<5880xf32, #tpu.memory_space<hbm>>
    tpu.enqueue_dma source(%dma_start3A_1 : memref<5880xf32, #tpu.memory_space<hbm>>) target(%arg8 : memref<5880xf32, #tpu.memory_space<vmem>>) target_semaphore(%arg15 : memref<!tpu.dma_semaphore, #tpu.memory_space<semaphore_mem>>)
    %mul3A_2 = arith.constant 5880 : i32
    %mul3A_3 = arith.muli %arg1, %mul3A_2 : i32
    %dma_start3A_4 = tpu.memref_slice %arg3[%mul3A_3] : memref<94080xf32, #tpu.memory_space<hbm>> -> memref<5880xf32, #tpu.memory_space<hbm>>
    %dma_start3A_5 = tpu.memref_slice %arg3[%mul3A_3] : memref<94080xf32, #tpu.memory_space<hbm>> -> memref<5880xf32, #tpu.memory_space<hbm>>
    tpu.enqueue_dma source(%dma_start3A_5 : memref<5880xf32, #tpu.memory_space<hbm>>) target(%arg9 : memref<5880xf32, #tpu.memory_space<vmem>>) target_semaphore(%arg16 : memref<!tpu.dma_semaphore, #tpu.memory_space<semaphore_mem>>)
    %iota3A = tpu.iota {dimensions = array<i32: 0>} : vector<16xi32>
    %broadcast_in_dim3A = arith.constant 0.000000e+00 : f32
    %broadcast_in_dim3A_6 = vector.broadcast %broadcast_in_dim3A : f32 to vector<16xf32>
    %broadcast_in_dim3A_7 = arith.constant -302107029 : i32
    %broadcast_in_dim3A_8 = vector.broadcast %broadcast_in_dim3A_7 : i32 to vector<16xi32>
    %eq3A = arith.constant 1 : i32
    %eq3A_9 = vector.broadcast %eq3A : i32 to vector<16xi32>
    %eq3A_10 = arith.cmpi eq, %iota3A, %eq3A_9 : vector<16xi32>
    %jit3A = arith.constant 1274102231 : i32
    %broadcast_in_dim3A_11 = vector.broadcast %jit3A : i32 to vector<16xi32>
    %select_n3A = arith.select %eq3A_10, %broadcast_in_dim3A_11, %broadcast_in_dim3A_8 : vector<16xi1>, vector<16xi32>
    %eq3A_12 = arith.constant 2 : i32
    %eq3A_13 = vector.broadcast %eq3A_12 : i32 to vector<16xi32>
    %eq3A_14 = arith.cmpi eq, %iota3A, %eq3A_13 : vector<16xi32>
    %jit3A_15 = arith.constant 316146503 : i32
    %broadcast_in_dim3A_16 = vector.broadcast %jit3A_15 : i32 to vector<16xi32>
    %select_n3A_17 = arith.select %eq3A_14, %broadcast_in_dim3A_16, %select_n3A : vector<16xi1>, vector<16xi32>
    %eq3A_18 = arith.constant 3 : i32
    %eq3A_19 = vector.broadcast %eq3A_18 : i32 to vector<16xi32>
    %eq3A_20 = arith.cmpi eq, %iota3A, %eq3A_19 : vector<16xi32>
    %jit3A_21 = arith.constant -2030868855 : i32
    %broadcast_in_dim3A_22 = vector.broadcast %jit3A_21 : i32 to vector<16xi32>
    %select_n3A_23 = arith.select %eq3A_20, %broadcast_in_dim3A_22, %select_n3A_17 : vector<16xi1>, vector<16xi32>
    %eq3A_24 = arith.constant 4 : i32
    %eq3A_25 = vector.broadcast %eq3A_24 : i32 to vector<16xi32>
    %eq3A_26 = arith.cmpi eq, %iota3A, %eq3A_25 : vector<16xi32>
    %jit3A_27 = arith.constant -2043555704 : i32
    %broadcast_in_dim3A_28 = vector.broadcast %jit3A_27 : i32 to vector<16xi32>
    %select_n3A_29 = arith.select %eq3A_26, %broadcast_in_dim3A_28, %select_n3A_23 : vector<16xi1>, vector<16xi32>
    %eq3A_30 = arith.constant 5 : i32
    %eq3A_31 = vector.broadcast %eq3A_30 : i32 to vector<16xi32>
    %eq3A_32 = arith.cmpi eq, %iota3A, %eq3A_31 : vector<16xi32>
    %jit3A_33 = arith.constant 1152321120 : i32
    %broadcast_in_dim3A_34 = vector.broadcast %jit3A_33 : i32 to vector<16xi32>
    %select_n3A_35 = arith.select %eq3A_32, %broadcast_in_dim3A_34, %select_n3A_29 : vector<16xi1>, vector<16xi32>
    %eq3A_36 = arith.constant 6 : i32
    %eq3A_37 = vector.broadcast %eq3A_36 : i32 to vector<16xi32>
    %eq3A_38 = arith.cmpi eq, %iota3A, %eq3A_37 : vector<16xi32>
    %jit3A_39 = arith.constant 1435840459 : i32
    %broadcast_in_dim3A_40 = vector.broadcast %jit3A_39 : i32 to vector<16xi32>
    %select_n3A_41 = arith.select %eq3A_38, %broadcast_in_dim3A_40, %select_n3A_35 : vector<16xi1>, vector<16xi32>
    %eq3A_42 = arith.constant 7 : i32
    %eq3A_43 = vector.broadcast %eq3A_42 : i32 to vector<16xi32>
    %eq3A_44 = arith.cmpi eq, %iota3A, %eq3A_43 : vector<16xi32>
    %jit3A_45 = arith.constant -1232278069 : i32
    %broadcast_in_dim3A_46 = vector.broadcast %jit3A_45 : i32 to vector<16xi32>
    %select_n3A_47 = arith.select %eq3A_44, %broadcast_in_dim3A_46, %select_n3A_41 : vector<16xi1>, vector<16xi32>
    %eq3A_48 = arith.constant 8 : i32
    %eq3A_49 = vector.broadcast %eq3A_48 : i32 to vector<16xi32>
    %eq3A_50 = arith.cmpi eq, %iota3A, %eq3A_49 : vector<16xi32>
    %jit3A_51 = arith.constant 1044798225 : i32
    %broadcast_in_dim3A_52 = vector.broadcast %jit3A_51 : i32 to vector<16xi32>
    %select_n3A_53 = arith.select %eq3A_50, %broadcast_in_dim3A_52, %select_n3A_47 : vector<16xi1>, vector<16xi32>
    %eq3A_54 = arith.constant 9 : i32
    %eq3A_55 = vector.broadcast %eq3A_54 : i32 to vector<16xi32>
    %eq3A_56 = arith.cmpi eq, %iota3A, %eq3A_55 : vector<16xi32>
    %jit3A_57 = arith.constant 1246963277 : i32
    %broadcast_in_dim3A_58 = vector.broadcast %jit3A_57 : i32 to vector<16xi32>
    %select_n3A_59 = arith.select %eq3A_56, %broadcast_in_dim3A_58, %select_n3A_53 : vector<16xi1>, vector<16xi32>
    %eq3A_60 = arith.constant 10 : i32
    %eq3A_61 = vector.broadcast %eq3A_60 : i32 to vector<16xi32>
    %eq3A_62 = arith.cmpi eq, %iota3A, %eq3A_61 : vector<16xi32>
    %jit3A_63 = arith.constant -830160399 : i32
    %broadcast_in_dim3A_64 = vector.broadcast %jit3A_63 : i32 to vector<16xi32>
    %select_n3A_65 = arith.select %eq3A_62, %broadcast_in_dim3A_64, %select_n3A_59 : vector<16xi1>, vector<16xi32>
    %eq3A_66 = arith.constant 11 : i32
    %eq3A_67 = vector.broadcast %eq3A_66 : i32 to vector<16xi32>
    %eq3A_68 = arith.cmpi eq, %iota3A, %eq3A_67 : vector<16xi32>
    %jit3A_69 = arith.constant 1568337592 : i32
    %broadcast_in_dim3A_70 = vector.broadcast %jit3A_69 : i32 to vector<16xi32>
    %select_n3A_71 = arith.select %eq3A_68, %broadcast_in_dim3A_70, %select_n3A_65 : vector<16xi1>, vector<16xi32>
    %eq3A_72 = arith.constant 12 : i32
    %eq3A_73 = vector.broadcast %eq3A_72 : i32 to vector<16xi32>
    %eq3A_74 = arith.cmpi eq, %iota3A, %eq3A_73 : vector<16xi32>
    %jit3A_75 = arith.constant -600162018 : i32
    %broadcast_in_dim3A_76 = vector.broadcast %jit3A_75 : i32 to vector<16xi32>
    %select_n3A_77 = arith.select %eq3A_74, %broadcast_in_dim3A_76, %select_n3A_71 : vector<16xi1>, vector<16xi32>
    %eq3A_78 = arith.constant 13 : i32
    %eq3A_79 = vector.broadcast %eq3A_78 : i32 to vector<16xi32>
    %eq3A_80 = arith.cmpi eq, %iota3A, %eq3A_79 : vector<16xi32>
    %jit3A_81 = arith.constant -1951208756 : i32
    %broadcast_in_dim3A_82 = vector.broadcast %jit3A_81 : i32 to vector<16xi32>
    %select_n3A_83 = arith.select %eq3A_80, %broadcast_in_dim3A_82, %select_n3A_77 : vector<16xi1>, vector<16xi32>
    %eq3A_84 = arith.constant 14 : i32
    %eq3A_85 = vector.broadcast %eq3A_84 : i32 to vector<16xi32>
    %eq3A_86 = arith.cmpi eq, %iota3A, %eq3A_85 : vector<16xi32>
    %jit3A_87 = arith.constant -476047171 : i32
    %broadcast_in_dim3A_88 = vector.broadcast %jit3A_87 : i32 to vector<16xi32>
    %select_n3A_89 = arith.select %eq3A_86, %broadcast_in_dim3A_88, %select_n3A_83 : vector<16xi1>, vector<16xi32>
    %eq3A_90 = arith.constant 15 : i32
    %eq3A_91 = vector.broadcast %eq3A_90 : i32 to vector<16xi32>
    %eq3A_92 = arith.cmpi eq, %iota3A, %eq3A_91 : vector<16xi32>
    %jit3A_93 = arith.constant 905329040 : i32
    %broadcast_in_dim3A_94 = vector.broadcast %jit3A_93 : i32 to vector<16xi32>
    %select_n3A_95 = arith.select %eq3A_92, %broadcast_in_dim3A_94, %select_n3A_89 : vector<16xi1>, vector<16xi32>
    %add3A = arith.constant 0 : i32
    %add3A_96 = vector.broadcast %add3A : i32 to vector<16xi32>
    %add3A_97 = arith.addi %iota3A, %add3A_96 : vector<16xi32>
    tpu.vector_store_idx %arg10[%add3A_97], %select_n3A_95 : memref<112xi32, #tpu.memory_space<vmem>>[vector<16xi32>], vector<16xi32>,
    %broadcast_in_dim3A_98 = arith.constant -5928115 : i32
    %broadcast_in_dim3A_99 = vector.broadcast %broadcast_in_dim3A_98 : i32 to vector<16xi32>
    %eq3A_100 = arith.constant 1 : i32
    %eq3A_101 = vector.broadcast %eq3A_100 : i32 to vector<16xi32>
    %eq3A_102 = arith.cmpi eq, %iota3A, %eq3A_101 : vector<16xi32>
    %jit3A_103 = arith.constant 658031668 : i32
    %broadcast_in_dim3A_104 = vector.broadcast %jit3A_103 : i32 to vector<16xi32>
    %select_n3A_105 = arith.select %eq3A_102, %broadcast_in_dim3A_104, %broadcast_in_dim3A_99 : vector<16xi1>, vector<16xi32>
    %eq3A_106 = arith.constant 2 : i32
    %eq3A_107 = vector.broadcast %eq3A_106 : i32 to vector<16xi32>
    %eq3A_108 = arith.cmpi eq, %iota3A, %eq3A_107 : vector<16xi32>
    %jit3A_109 = arith.constant 301516713 : i32
    %broadcast_in_dim3A_110 = vector.broadcast %jit3A_109 : i32 to vector<16xi32>
    %select_n3A_111 = arith.select %eq3A_108, %broadcast_in_dim3A_110, %select_n3A_105 : vector<16xi1>, vector<16xi32>
    %eq3A_112 = arith.constant 3 : i32
    %eq3A_113 = vector.broadcast %eq3A_112 : i32 to vector<16xi32>
    %eq3A_114 = arith.cmpi eq, %iota3A, %eq3A_113 : vector<16xi32>
    %jit3A_115 = arith.constant 193782303 : i32
    %broadcast_in_dim3A_116 = vector.broadcast %jit3A_115 : i32 to vector<16xi32>
    %select_n3A_117 = arith.select %eq3A_114, %broadcast_in_dim3A_116, %select_n3A_111 : vector<16xi1>, vector<16xi32>
    %eq3A_118 = arith.constant 4 : i32
    %eq3A_119 = vector.broadcast %eq3A_118 : i32 to vector<16xi32>
    %eq3A_120 = arith.cmpi eq, %iota3A, %eq3A_119 : vector<16xi32>
    %jit3A_121 = arith.constant -1731283818 : i32
    %broadcast_in_dim3A_122 = vector.broadcast %jit3A_121 : i32 to vector<16xi32>
    %select_n3A_123 = arith.select %eq3A_120, %broadcast_in_dim3A_122, %select_n3A_117 : vector<16xi1>, vector<16xi32>
    %eq3A_124 = arith.constant 5 : i32
    %eq3A_125 = vector.broadcast %eq3A_124 : i32 to vector<16xi32>
    %eq3A_126 = arith.cmpi eq, %iota3A, %eq3A_125 : vector<16xi32>
    %jit3A_127 = arith.constant -1849561343 : i32
    %broadcast_in_dim3A_128 = vector.broadcast %jit3A_127 : i32 to vector<16xi32>
    %select_n3A_129 = arith.select %eq3A_126, %broadcast_in_dim3A_128, %select_n3A_123 : vector<16xi1>, vector<16xi32>
    %eq3A_130 = arith.constant 6 : i32
    %eq3A_131 = vector.broadcast %eq3A_130 : i32 to vector<16xi32>
    %eq3A_132 = arith.cmpi eq, %iota3A, %eq3A_131 : vector<16xi32>
    %jit3A_133 = arith.constant 1141866270 : i32
    %broadcast_in_dim3A_134 = vector.broadcast %jit3A_133 : i32 to vector<16xi32>
    %select_n3A_135 = arith.select %eq3A_132, %broadcast_in_dim3A_134, %select_n3A_129 : vector<16xi1>, vector<16xi32>
    %eq3A_136 = arith.constant 7 : i32
    %eq3A_137 = vector.broadcast %eq3A_136 : i32 to vector<16xi32>
    %eq3A_138 = arith.cmpi eq, %iota3A, %eq3A_137 : vector<16xi32>
    %jit3A_139 = arith.constant 599575819 : i32
    %broadcast_in_dim3A_140 = vector.broadcast %jit3A_139 : i32 to vector<16xi32>
    %select_n3A_141 = arith.select %eq3A_138, %broadcast_in_dim3A_140, %select_n3A_135 : vector<16xi1>, vector<16xi32>
    %eq3A_142 = arith.constant 8 : i32
    %eq3A_143 = vector.broadcast %eq3A_142 : i32 to vector<16xi32>
    %eq3A_144 = arith.cmpi eq, %iota3A, %eq3A_143 : vector<16xi32>
    %jit3A_145 = arith.constant -542209400 : i32
    %broadcast_in_dim3A_146 = vector.broadcast %jit3A_145 : i32 to vector<16xi32>
    %select_n3A_147 = arith.select %eq3A_144, %broadcast_in_dim3A_146, %select_n3A_141 : vector<16xi1>, vector<16xi32>
    %eq3A_148 = arith.constant 9 : i32
    %eq3A_149 = vector.broadcast %eq3A_148 : i32 to vector<16xi32>
    %eq3A_150 = arith.cmpi eq, %iota3A, %eq3A_149 : vector<16xi32>
    %jit3A_151 = arith.constant 227898362 : i32
    %broadcast_in_dim3A_152 = vector.broadcast %jit3A_151 : i32 to vector<16xi32>
    %select_n3A_153 = arith.select %eq3A_150, %broadcast_in_dim3A_152, %select_n3A_147 : vector<16xi1>, vector<16xi32>
    %eq3A_154 = arith.constant 10 : i32
    %eq3A_155 = vector.broadcast %eq3A_154 : i32 to vector<16xi32>
    %eq3A_156 = arith.cmpi eq, %iota3A, %eq3A_155 : vector<16xi32>
    %jit3A_157 = arith.constant 658152828 : i32
    %broadcast_in_dim3A_158 = vector.broadcast %jit3A_157 : i32 to vector<16xi32>
    %select_n3A_159 = arith.select %eq3A_156, %broadcast_in_dim3A_158, %select_n3A_153 : vector<16xi1>, vector<16xi32>
    %eq3A_160 = arith.constant 11 : i32
    %eq3A_161 = vector.broadcast %eq3A_160 : i32 to vector<16xi32>
    %eq3A_162 = arith.cmpi eq, %iota3A, %eq3A_161 : vector<16xi32>
    %jit3A_163 = arith.constant 1533718040 : i32
    %broadcast_in_dim3A_164 = vector.broadcast %jit3A_163 : i32 to vector<16xi32>
    %select_n3A_165 = arith.select %eq3A_162, %broadcast_in_dim3A_164, %select_n3A_159 : vector<16xi1>, vector<16xi32>
    %eq3A_166 = arith.constant 12 : i32
    %eq3A_167 = vector.broadcast %eq3A_166 : i32 to vector<16xi32>
    %eq3A_168 = arith.cmpi eq, %iota3A, %eq3A_167 : vector<16xi32>
    %jit3A_169 = arith.constant 228978339 : i32
    %broadcast_in_dim3A_170 = vector.broadcast %jit3A_169 : i32 to vector<16xi32>
    %select_n3A_171 = arith.select %eq3A_168, %broadcast_in_dim3A_170, %select_n3A_165 : vector<16xi1>, vector<16xi32>
    %eq3A_172 = arith.constant 13 : i32
    %eq3A_173 = vector.broadcast %eq3A_172 : i32 to vector<16xi32>
    %eq3A_174 = arith.cmpi eq, %iota3A, %eq3A_173 : vector<16xi32>
    %jit3A_175 = arith.constant 574551755 : i32
    %broadcast_in_dim3A_176 = vector.broadcast %jit3A_175 : i32 to vector<16xi32>
    %select_n3A_177 = arith.select %eq3A_174, %broadcast_in_dim3A_176, %select_n3A_171 : vector<16xi1>, vector<16xi32>
    %eq3A_178 = arith.constant 14 : i32
    %eq3A_179 = vector.broadcast %eq3A_178 : i32 to vector<16xi32>
    %eq3A_180 = arith.cmpi eq, %iota3A, %eq3A_179 : vector<16xi32>
    %jit3A_181 = arith.constant 2023831629 : i32
    %broadcast_in_dim3A_182 = vector.broadcast %jit3A_181 : i32 to vector<16xi32>
    %select_n3A_183 = arith.select %eq3A_180, %broadcast_in_dim3A_182, %select_n3A_177 : vector<16xi1>, vector<16xi32>
    %eq3A_184 = arith.constant 15 : i32
    %eq3A_185 = vector.broadcast %eq3A_184 : i32 to vector<16xi32>
    %eq3A_186 = arith.cmpi eq, %iota3A, %eq3A_185 : vector<16xi32>
    %jit3A_187 = arith.constant 366860840 : i32
    %broadcast_in_dim3A_188 = vector.broadcast %jit3A_187 : i32 to vector<16xi32>
    %select_n3A_189 = arith.select %eq3A_186, %broadcast_in_dim3A_188, %select_n3A_183 : vector<16xi1>, vector<16xi32>
    %add3A_190 = arith.constant 16 : i32
    %add3A_191 = vector.broadcast %add3A_190 : i32 to vector<16xi32>
    %add3A_192 = arith.addi %iota3A, %add3A_191 : vector<16xi32>
    tpu.vector_store_idx %arg10[%add3A_192], %select_n3A_189 : memref<112xi32, #tpu.memory_space<vmem>>[vector<16xi32>], vector<16xi32>,
    %broadcast_in_dim3A_193 = arith.constant -1563339837 : i32
    %broadcast_in_dim3A_194 = vector.broadcast %broadcast_in_dim3A_193 : i32 to vector<16xi32>
    %eq3A_195 = arith.constant 1 : i32
    %eq3A_196 = vector.broadcast %eq3A_195 : i32 to vector<16xi32>
    %eq3A_197 = arith.cmpi eq, %iota3A, %eq3A_196 : vector<16xi32>
    %jit3A_198 = arith.constant -1686618605 : i32
    %broadcast_in_dim3A_199 = vector.broadcast %jit3A_198 : i32 to vector<16xi32>
    %select_n3A_200 = arith.select %eq3A_197, %broadcast_in_dim3A_199, %broadcast_in_dim3A_194 : vector<16xi1>, vector<16xi32>
    %eq3A_201 = arith.constant 2 : i32
    %eq3A_202 = vector.broadcast %eq3A_201 : i32 to vector<16xi32>
    %eq3A_203 = arith.cmpi eq, %iota3A, %eq3A_202 : vector<16xi32>
    %jit3A_204 = arith.constant -1436095281 : i32
    %broadcast_in_dim3A_205 = vector.broadcast %jit3A_204 : i32 to vector<16xi32>
    %select_n3A_206 = arith.select %eq3A_203, %broadcast_in_dim3A_205, %select_n3A_200 : vector<16xi1>, vector<16xi32>
    %eq3A_207 = arith.constant 3 : i32
    %eq3A_208 = vector.broadcast %eq3A_207 : i32 to vector<16xi32>
    %eq3A_209 = arith.cmpi eq, %iota3A, %eq3A_208 : vector<16xi32>
    %jit3A_210 = arith.constant 1653909220 : i32
    %broadcast_in_dim3A_211 = vector.broadcast %jit3A_210 : i32 to vector<16xi32>
    %select_n3A_212 = arith.select %eq3A_209, %broadcast_in_dim3A_211, %select_n3A_206 : vector<16xi1>, vector<16xi32>
    %eq3A_213 = arith.constant 4 : i32
    %eq3A_214 = vector.broadcast %eq3A_213 : i32 to vector<16xi32>
    %eq3A_215 = arith.cmpi eq, %iota3A, %eq3A_214 : vector<16xi32>
    %jit3A_216 = arith.constant -134224745 : i32
    %broadcast_in_dim3A_217 = vector.broadcast %jit3A_216 : i32 to vector<16xi32>
    %select_n3A_218 = arith.select %eq3A_215, %broadcast_in_dim3A_217, %select_n3A_212 : vector<16xi1>, vector<16xi32>
    %eq3A_219 = arith.constant 5 : i32
    %eq3A_220 = vector.broadcast %eq3A_219 : i32 to vector<16xi32>
    %eq3A_221 = arith.cmpi eq, %iota3A, %eq3A_220 : vector<16xi32>
    %jit3A_222 = arith.constant 376105839 : i32
    %broadcast_in_dim3A_223 = vector.broadcast %jit3A_222 : i32 to vector<16xi32>
    %select_n3A_224 = arith.select %eq3A_221, %broadcast_in_dim3A_223, %select_n3A_218 : vector<16xi1>, vector<16xi32>
    %eq3A_225 = arith.constant 6 : i32
    %eq3A_226 = vector.broadcast %eq3A_225 : i32 to vector<16xi32>
    %eq3A_227 = arith.cmpi eq, %iota3A, %eq3A_226 : vector<16xi32>
    %jit3A_228 = arith.constant -1472642831 : i32
    %broadcast_in_dim3A_229 = vector.broadcast %jit3A_228 : i32 to vector<16xi32>
    %select_n3A_230 = arith.select %eq3A_227, %broadcast_in_dim3A_229, %select_n3A_224 : vector<16xi1>, vector<16xi32>
    %eq3A_231 = arith.constant 7 : i32
    %eq3A_232 = vector.broadcast %eq3A_231 : i32 to vector<16xi32>
    %eq3A_233 = arith.cmpi eq, %iota3A, %eq3A_232 : vector<16xi32>
    %jit3A_234 = arith.constant 2113510929 : i32
    %broadcast_in_dim3A_235 = vector.broadcast %jit3A_234 : i32 to vector<16xi32>
    %select_n3A_236 = arith.select %eq3A_233, %broadcast_in_dim3A_235, %select_n3A_230 : vector<16xi1>, vector<16xi32>
    %eq3A_237 = arith.constant 8 : i32
    %eq3A_238 = vector.broadcast %eq3A_237 : i32 to vector<16xi32>
    %eq3A_239 = arith.cmpi eq, %iota3A, %eq3A_238 : vector<16xi32>
    %jit3A_240 = arith.constant 1504977110 : i32
    %broadcast_in_dim3A_241 = vector.broadcast %jit3A_240 : i32 to vector<16xi32>
    %select_n3A_242 = arith.select %eq3A_239, %broadcast_in_dim3A_241, %select_n3A_236 : vector<16xi1>, vector<16xi32>
    %eq3A_243 = arith.constant 9 : i32
    %eq3A_244 = vector.broadcast %eq3A_243 : i32 to vector<16xi32>
    %eq3A_245 = arith.cmpi eq, %iota3A, %eq3A_244 : vector<16xi32>
    %jit3A_246 = arith.constant -326807349 : i32
    %broadcast_in_dim3A_247 = vector.broadcast %jit3A_246 : i32 to vector<16xi32>
    %select_n3A_248 = arith.select %eq3A_245, %broadcast_in_dim3A_247, %select_n3A_242 : vector<16xi1>, vector<16xi32>
    %eq3A_249 = arith.constant 10 : i32
    %eq3A_250 = vector.broadcast %eq3A_249 : i32 to vector<16xi32>
    %eq3A_251 = arith.cmpi eq, %iota3A, %eq3A_250 : vector<16xi32>
    %jit3A_252 = arith.constant 1401472706 : i32
    %broadcast_in_dim3A_253 = vector.broadcast %jit3A_252 : i32 to vector<16xi32>
    %select_n3A_254 = arith.select %eq3A_251, %broadcast_in_dim3A_253, %select_n3A_248 : vector<16xi1>, vector<16xi32>
    %eq3A_255 = arith.constant 11 : i32
    %eq3A_256 = vector.broadcast %eq3A_255 : i32 to vector<16xi32>
    %eq3A_257 = arith.cmpi eq, %iota3A, %eq3A_256 : vector<16xi32>
    %jit3A_258 = arith.constant 994038363 : i32
    %broadcast_in_dim3A_259 = vector.broadcast %jit3A_258 : i32 to vector<16xi32>
    %select_n3A_260 = arith.select %eq3A_257, %broadcast_in_dim3A_259, %select_n3A_254 : vector<16xi1>, vector<16xi32>
    %eq3A_261 = arith.constant 12 : i32
    %eq3A_262 = vector.broadcast %eq3A_261 : i32 to vector<16xi32>
    %eq3A_263 = arith.cmpi eq, %iota3A, %eq3A_262 : vector<16xi32>
    %jit3A_264 = arith.constant 2010917201 : i32
    %broadcast_in_dim3A_265 = vector.broadcast %jit3A_264 : i32 to vector<16xi32>
    %select_n3A_266 = arith.select %eq3A_263, %broadcast_in_dim3A_265, %select_n3A_260 : vector<16xi1>, vector<16xi32>
    %eq3A_267 = arith.constant 13 : i32
    %eq3A_268 = vector.broadcast %eq3A_267 : i32 to vector<16xi32>
    %eq3A_269 = arith.cmpi eq, %iota3A, %eq3A_268 : vector<16xi32>
    %jit3A_270 = arith.constant 1987589659 : i32
    %broadcast_in_dim3A_271 = vector.broadcast %jit3A_270 : i32 to vector<16xi32>
    %select_n3A_272 = arith.select %eq3A_269, %broadcast_in_dim3A_271, %select_n3A_266 : vector<16xi1>, vector<16xi32>
    %eq3A_273 = arith.constant 14 : i32
    %eq3A_274 = vector.broadcast %eq3A_273 : i32 to vector<16xi32>
    %eq3A_275 = arith.cmpi eq, %iota3A, %eq3A_274 : vector<16xi32>
    %jit3A_276 = arith.constant 610359273 : i32
    %broadcast_in_dim3A_277 = vector.broadcast %jit3A_276 : i32 to vector<16xi32>
    %select_n3A_278 = arith.select %eq3A_275, %broadcast_in_dim3A_277, %select_n3A_272 : vector<16xi1>, vector<16xi32>
    %eq3A_279 = arith.constant 15 : i32
    %eq3A_280 = vector.broadcast %eq3A_279 : i32 to vector<16xi32>
    %eq3A_281 = arith.cmpi eq, %iota3A, %eq3A_280 : vector<16xi32>
    %jit3A_282 = arith.constant 1780199940 : i32
    %broadcast_in_dim3A_283 = vector.broadcast %jit3A_282 : i32 to vector<16xi32>
    %select_n3A_284 = arith.select %eq3A_281, %broadcast_in_dim3A_283, %select_n3A_278 : vector<16xi1>, vector<16xi32>
    %add3A_285 = arith.constant 32 : i32
    %add3A_286 = vector.broadcast %add3A_285 : i32 to vector<16xi32>
    %add3A_287 = arith.addi %iota3A, %add3A_286 : vector<16xi32>
    tpu.vector_store_idx %arg10[%add3A_287], %select_n3A_284 : memref<112xi32, #tpu.memory_space<vmem>>[vector<16xi32>], vector<16xi32>,
    %broadcast_in_dim3A_288 = arith.constant -1858464293 : i32
    %broadcast_in_dim3A_289 = vector.broadcast %broadcast_in_dim3A_288 : i32 to vector<16xi32>
    %eq3A_290 = arith.constant 1 : i32
    %eq3A_291 = vector.broadcast %eq3A_290 : i32 to vector<16xi32>
    %eq3A_292 = arith.cmpi eq, %iota3A, %eq3A_291 : vector<16xi32>
    %jit3A_293 = arith.constant -1527234282 : i32
    %broadcast_in_dim3A_294 = vector.broadcast %jit3A_293 : i32 to vector<16xi32>
    %select_n3A_295 = arith.select %eq3A_292, %broadcast_in_dim3A_294, %broadcast_in_dim3A_289 : vector<16xi1>, vector<16xi32>
    %eq3A_296 = arith.constant 2 : i32
    %eq3A_297 = vector.broadcast %eq3A_296 : i32 to vector<16xi32>
    %eq3A_298 = arith.cmpi eq, %iota3A, %eq3A_297 : vector<16xi32>
    %jit3A_299 = arith.constant -1938882525 : i32
    %broadcast_in_dim3A_300 = vector.broadcast %jit3A_299 : i32 to vector<16xi32>
    %select_n3A_301 = arith.select %eq3A_298, %broadcast_in_dim3A_300, %select_n3A_295 : vector<16xi1>, vector<16xi32>
    %eq3A_302 = arith.constant 3 : i32
    %eq3A_303 = vector.broadcast %eq3A_302 : i32 to vector<16xi32>
    %eq3A_304 = arith.cmpi eq, %iota3A, %eq3A_303 : vector<16xi32>
    %jit3A_305 = arith.constant 1147936987 : i32
    %broadcast_in_dim3A_306 = vector.broadcast %jit3A_305 : i32 to vector<16xi32>
    %select_n3A_307 = arith.select %eq3A_304, %broadcast_in_dim3A_306, %select_n3A_301 : vector<16xi1>, vector<16xi32>
    %eq3A_308 = arith.constant 4 : i32
    %eq3A_309 = vector.broadcast %eq3A_308 : i32 to vector<16xi32>
    %eq3A_310 = arith.cmpi eq, %iota3A, %eq3A_309 : vector<16xi32>
    %jit3A_311 = arith.constant 439712375 : i32
    %broadcast_in_dim3A_312 = vector.broadcast %jit3A_311 : i32 to vector<16xi32>
    %select_n3A_313 = arith.select %eq3A_310, %broadcast_in_dim3A_312, %select_n3A_307 : vector<16xi1>, vector<16xi32>
    %eq3A_314 = arith.constant 5 : i32
    %eq3A_315 = vector.broadcast %eq3A_314 : i32 to vector<16xi32>
    %eq3A_316 = arith.cmpi eq, %iota3A, %eq3A_315 : vector<16xi32>
    %jit3A_317 = arith.constant 761551051 : i32
    %broadcast_in_dim3A_318 = vector.broadcast %jit3A_317 : i32 to vector<16xi32>
    %select_n3A_319 = arith.select %eq3A_316, %broadcast_in_dim3A_318, %select_n3A_313 : vector<16xi1>, vector<16xi32>
    %eq3A_320 = arith.constant 6 : i32
    %eq3A_321 = vector.broadcast %eq3A_320 : i32 to vector<16xi32>
    %eq3A_322 = arith.cmpi eq, %iota3A, %eq3A_321 : vector<16xi32>
    %jit3A_323 = arith.constant 1313235097 : i32
    %broadcast_in_dim3A_324 = vector.broadcast %jit3A_323 : i32 to vector<16xi32>
    %select_n3A_325 = arith.select %eq3A_322, %broadcast_in_dim3A_324, %select_n3A_319 : vector<16xi1>, vector<16xi32>
    %eq3A_326 = arith.constant 7 : i32
    %eq3A_327 = vector.broadcast %eq3A_326 : i32 to vector<16xi32>
    %eq3A_328 = arith.cmpi eq, %iota3A, %eq3A_327 : vector<16xi32>
    %jit3A_329 = arith.constant 1633487278 : i32
    %broadcast_in_dim3A_330 = vector.broadcast %jit3A_329 : i32 to vector<16xi32>
    %select_n3A_331 = arith.select %eq3A_328, %broadcast_in_dim3A_330, %select_n3A_325 : vector<16xi1>, vector<16xi32>
    %eq3A_332 = arith.constant 8 : i32
    %eq3A_333 = vector.broadcast %eq3A_332 : i32 to vector<16xi32>
    %eq3A_334 = arith.cmpi eq, %iota3A, %eq3A_333 : vector<16xi32>
    %jit3A_335 = arith.constant 299712084 : i32
    %broadcast_in_dim3A_336 = vector.broadcast %jit3A_335 : i32 to vector<16xi32>
    %select_n3A_337 = arith.select %eq3A_334, %broadcast_in_dim3A_336, %select_n3A_331 : vector<16xi1>, vector<16xi32>
    %eq3A_338 = arith.constant 9 : i32
    %eq3A_339 = vector.broadcast %eq3A_338 : i32 to vector<16xi32>
    %eq3A_340 = arith.cmpi eq, %iota3A, %eq3A_339 : vector<16xi32>
    %jit3A_341 = arith.constant -1535325547 : i32
    %broadcast_in_dim3A_342 = vector.broadcast %jit3A_341 : i32 to vector<16xi32>
    %select_n3A_343 = arith.select %eq3A_340, %broadcast_in_dim3A_342, %select_n3A_337 : vector<16xi1>, vector<16xi32>
    %eq3A_344 = arith.constant 10 : i32
    %eq3A_345 = vector.broadcast %eq3A_344 : i32 to vector<16xi32>
    %eq3A_346 = arith.cmpi eq, %iota3A, %eq3A_345 : vector<16xi32>
    %jit3A_347 = arith.constant 1371588504 : i32
    %broadcast_in_dim3A_348 = vector.broadcast %jit3A_347 : i32 to vector<16xi32>
    %select_n3A_349 = arith.select %eq3A_346, %broadcast_in_dim3A_348, %select_n3A_343 : vector<16xi1>, vector<16xi32>
    %eq3A_350 = arith.constant 11 : i32
    %eq3A_351 = vector.broadcast %eq3A_350 : i32 to vector<16xi32>
    %eq3A_352 = arith.cmpi eq, %iota3A, %eq3A_351 : vector<16xi32>
    %jit3A_353 = arith.constant 529494525 : i32
    %broadcast_in_dim3A_354 = vector.broadcast %jit3A_353 : i32 to vector<16xi32>
    %select_n3A_355 = arith.select %eq3A_352, %broadcast_in_dim3A_354, %select_n3A_349 : vector<16xi1>, vector<16xi32>
    %eq3A_356 = arith.constant 12 : i32
    %eq3A_357 = vector.broadcast %eq3A_356 : i32 to vector<16xi32>
    %eq3A_358 = arith.cmpi eq, %iota3A, %eq3A_357 : vector<16xi32>
    %jit3A_359 = arith.constant 1798591143 : i32
    %broadcast_in_dim3A_360 = vector.broadcast %jit3A_359 : i32 to vector<16xi32>
    %select_n3A_361 = arith.select %eq3A_358, %broadcast_in_dim3A_360, %select_n3A_355 : vector<16xi1>, vector<16xi32>
    %eq3A_362 = arith.constant 13 : i32
    %eq3A_363 = vector.broadcast %eq3A_362 : i32 to vector<16xi32>
    %eq3A_364 = arith.cmpi eq, %iota3A, %eq3A_363 : vector<16xi32>
    %jit3A_365 = arith.constant -880408992 : i32
    %broadcast_in_dim3A_366 = vector.broadcast %jit3A_365 : i32 to vector<16xi32>
    %select_n3A_367 = arith.select %eq3A_364, %broadcast_in_dim3A_366, %select_n3A_361 : vector<16xi1>, vector<16xi32>
    %eq3A_368 = arith.constant 14 : i32
    %eq3A_369 = vector.broadcast %eq3A_368 : i32 to vector<16xi32>
    %eq3A_370 = arith.cmpi eq, %iota3A, %eq3A_369 : vector<16xi32>
    %jit3A_371 = arith.constant 81765406 : i32
    %broadcast_in_dim3A_372 = vector.broadcast %jit3A_371 : i32 to vector<16xi32>
    %select_n3A_373 = arith.select %eq3A_370, %broadcast_in_dim3A_372, %select_n3A_367 : vector<16xi1>, vector<16xi32>
    %eq3A_374 = arith.constant 15 : i32
    %eq3A_375 = vector.broadcast %eq3A_374 : i32 to vector<16xi32>
    %eq3A_376 = arith.cmpi eq, %iota3A, %eq3A_375 : vector<16xi32>
    %jit3A_377 = arith.constant -1418309419 : i32
    %broadcast_in_dim3A_378 = vector.broadcast %jit3A_377 : i32 to vector<16xi32>
    %select_n3A_379 = arith.select %eq3A_376, %broadcast_in_dim3A_378, %select_n3A_373 : vector<16xi1>, vector<16xi32>
    %add3A_380 = arith.constant 48 : i32
    %add3A_381 = vector.broadcast %add3A_380 : i32 to vector<16xi32>
    %add3A_382 = arith.addi %iota3A, %add3A_381 : vector<16xi32>
    tpu.vector_store_idx %arg10[%add3A_382], %select_n3A_379 : memref<112xi32, #tpu.memory_space<vmem>>[vector<16xi32>], vector<16xi32>,
    %broadcast_in_dim3A_383 = arith.constant -1182007084 : i32
    %broadcast_in_dim3A_384 = vector.broadcast %broadcast_in_dim3A_383 : i32 to vector<16xi32>
    %eq3A_385 = arith.constant 1 : i32
    %eq3A_386 = vector.broadcast %eq3A_385 : i32 to vector<16xi32>
    %eq3A_387 = arith.cmpi eq, %iota3A, %eq3A_386 : vector<16xi32>
    %jit3A_388 = arith.constant 530285153 : i32
    %broadcast_in_dim3A_389 = vector.broadcast %jit3A_388 : i32 to vector<16xi32>
    %select_n3A_390 = arith.select %eq3A_387, %broadcast_in_dim3A_389, %broadcast_in_dim3A_384 : vector<16xi1>, vector<16xi32>
    %eq3A_391 = arith.constant 2 : i32
    %eq3A_392 = vector.broadcast %eq3A_391 : i32 to vector<16xi32>
    %eq3A_393 = arith.cmpi eq, %iota3A, %eq3A_392 : vector<16xi32>
    %jit3A_394 = arith.constant 1353232302 : i32
    %broadcast_in_dim3A_395 = vector.broadcast %jit3A_394 : i32 to vector<16xi32>
    %select_n3A_396 = arith.select %eq3A_393, %broadcast_in_dim3A_395, %select_n3A_390 : vector<16xi1>, vector<16xi32>
    %eq3A_397 = arith.constant 3 : i32
    %eq3A_398 = vector.broadcast %eq3A_397 : i32 to vector<16xi32>
    %eq3A_399 = arith.cmpi eq, %iota3A, %eq3A_398 : vector<16xi32>
    %jit3A_400 = arith.constant -212997410 : i32
    %broadcast_in_dim3A_401 = vector.broadcast %jit3A_400 : i32 to vector<16xi32>
    %select_n3A_402 = arith.select %eq3A_399, %broadcast_in_dim3A_401, %select_n3A_396 : vector<16xi1>, vector<16xi32>
    %eq3A_403 = arith.constant 4 : i32
    %eq3A_404 = vector.broadcast %eq3A_403 : i32 to vector<16xi32>
    %eq3A_405 = arith.cmpi eq, %iota3A, %eq3A_404 : vector<16xi32>
    %jit3A_406 = arith.constant -985002266 : i32
    %broadcast_in_dim3A_407 = vector.broadcast %jit3A_406 : i32 to vector<16xi32>
    %select_n3A_408 = arith.select %eq3A_405, %broadcast_in_dim3A_407, %select_n3A_402 : vector<16xi1>, vector<16xi32>
    %eq3A_409 = arith.constant 5 : i32
    %eq3A_410 = vector.broadcast %eq3A_409 : i32 to vector<16xi32>
    %eq3A_411 = arith.cmpi eq, %iota3A, %eq3A_410 : vector<16xi32>
    %jit3A_412 = arith.constant 1858868381 : i32
    %broadcast_in_dim3A_413 = vector.broadcast %jit3A_412 : i32 to vector<16xi32>
    %select_n3A_414 = arith.select %eq3A_411, %broadcast_in_dim3A_413, %select_n3A_408 : vector<16xi1>, vector<16xi32>
    %eq3A_415 = arith.constant 6 : i32
    %eq3A_416 = vector.broadcast %eq3A_415 : i32 to vector<16xi32>
    %eq3A_417 = arith.cmpi eq, %iota3A, %eq3A_416 : vector<16xi32>
    %jit3A_418 = arith.constant 1839151801 : i32
    %broadcast_in_dim3A_419 = vector.broadcast %jit3A_418 : i32 to vector<16xi32>
    %select_n3A_420 = arith.select %eq3A_417, %broadcast_in_dim3A_419, %select_n3A_414 : vector<16xi1>, vector<16xi32>
    %eq3A_421 = arith.constant 7 : i32
    %eq3A_422 = vector.broadcast %eq3A_421 : i32 to vector<16xi32>
    %eq3A_423 = arith.cmpi eq, %iota3A, %eq3A_422 : vector<16xi32>
    %jit3A_424 = arith.constant 449207446 : i32
    %broadcast_in_dim3A_425 = vector.broadcast %jit3A_424 : i32 to vector<16xi32>
    %select_n3A_426 = arith.select %eq3A_423, %broadcast_in_dim3A_425, %select_n3A_420 : vector<16xi1>, vector<16xi32>
    %eq3A_427 = arith.constant 8 : i32
    %eq3A_428 = vector.broadcast %eq3A_427 : i32 to vector<16xi32>
    %eq3A_429 = arith.cmpi eq, %iota3A, %eq3A_428 : vector<16xi32>
    %jit3A_430 = arith.constant -2125093172 : i32
    %broadcast_in_dim3A_431 = vector.broadcast %jit3A_430 : i32 to vector<16xi32>
    %select_n3A_432 = arith.select %eq3A_429, %broadcast_in_dim3A_431, %select_n3A_426 : vector<16xi1>, vector<16xi32>
    %eq3A_433 = arith.constant 9 : i32
    %eq3A_434 = vector.broadcast %eq3A_433 : i32 to vector<16xi32>
    %eq3A_435 = arith.cmpi eq, %iota3A, %eq3A_434 : vector<16xi32>
    %jit3A_436 = arith.constant 458545405 : i32
    %broadcast_in_dim3A_437 = vector.broadcast %jit3A_436 : i32 to vector<16xi32>
    %select_n3A_438 = arith.select %eq3A_435, %broadcast_in_dim3A_437, %select_n3A_432 : vector<16xi1>, vector<16xi32>
    %eq3A_439 = arith.constant 10 : i32
    %eq3A_440 = vector.broadcast %eq3A_439 : i32 to vector<16xi32>
    %eq3A_441 = arith.cmpi eq, %iota3A, %eq3A_440 : vector<16xi32>
    %jit3A_442 = arith.constant 1781442820 : i32
    %broadcast_in_dim3A_443 = vector.broadcast %jit3A_442 : i32 to vector<16xi32>
    %select_n3A_444 = arith.select %eq3A_441, %broadcast_in_dim3A_443, %select_n3A_438 : vector<16xi1>, vector<16xi32>
    %eq3A_445 = arith.constant 11 : i32
    %eq3A_446 = vector.broadcast %eq3A_445 : i32 to vector<16xi32>
    %eq3A_447 = arith.cmpi eq, %iota3A, %eq3A_446 : vector<16xi32>
    %jit3A_448 = arith.constant 1919264707 : i32
    %broadcast_in_dim3A_449 = vector.broadcast %jit3A_448 : i32 to vector<16xi32>
    %select_n3A_450 = arith.select %eq3A_447, %broadcast_in_dim3A_449, %select_n3A_444 : vector<16xi1>, vector<16xi32>
    %eq3A_451 = arith.constant 12 : i32
    %eq3A_452 = vector.broadcast %eq3A_451 : i32 to vector<16xi32>
    %eq3A_453 = arith.cmpi eq, %iota3A, %eq3A_452 : vector<16xi32>
    %jit3A_454 = arith.constant 1298045920 : i32
    %broadcast_in_dim3A_455 = vector.broadcast %jit3A_454 : i32 to vector<16xi32>
    %select_n3A_456 = arith.select %eq3A_453, %broadcast_in_dim3A_455, %select_n3A_450 : vector<16xi1>, vector<16xi32>
    %eq3A_457 = arith.constant 13 : i32
    %eq3A_458 = vector.broadcast %eq3A_457 : i32 to vector<16xi32>
    %eq3A_459 = arith.cmpi eq, %iota3A, %eq3A_458 : vector<16xi32>
    %jit3A_460 = arith.constant 1462810996 : i32
    %broadcast_in_dim3A_461 = vector.broadcast %jit3A_460 : i32 to vector<16xi32>
    %select_n3A_462 = arith.select %eq3A_459, %broadcast_in_dim3A_461, %select_n3A_456 : vector<16xi1>, vector<16xi32>
    %eq3A_463 = arith.constant 14 : i32
    %eq3A_464 = vector.broadcast %eq3A_463 : i32 to vector<16xi32>
    %eq3A_465 = arith.cmpi eq, %iota3A, %eq3A_464 : vector<16xi32>
    %jit3A_466 = arith.constant 198700795 : i32
    %broadcast_in_dim3A_467 = vector.broadcast %jit3A_466 : i32 to vector<16xi32>
    %select_n3A_468 = arith.select %eq3A_465, %broadcast_in_dim3A_467, %select_n3A_462 : vector<16xi1>, vector<16xi32>
    %eq3A_469 = arith.constant 15 : i32
    %eq3A_470 = vector.broadcast %eq3A_469 : i32 to vector<16xi32>
    %eq3A_471 = arith.cmpi eq, %iota3A, %eq3A_470 : vector<16xi32>
    %jit3A_472 = arith.constant -2024882148 : i32
    %broadcast_in_dim3A_473 = vector.broadcast %jit3A_472 : i32 to vector<16xi32>
    %select_n3A_474 = arith.select %eq3A_471, %broadcast_in_dim3A_473, %select_n3A_468 : vector<16xi1>, vector<16xi32>
    %add3A_475 = arith.constant 64 : i32
    %add3A_476 = vector.broadcast %add3A_475 : i32 to vector<16xi32>
    %add3A_477 = arith.addi %iota3A, %add3A_476 : vector<16xi32>
    tpu.vector_store_idx %arg10[%add3A_477], %select_n3A_474 : memref<112xi32, #tpu.memory_space<vmem>>[vector<16xi32>], vector<16xi32>,
    %broadcast_in_dim3A_478 = arith.constant 27012473 : i32
    %broadcast_in_dim3A_479 = vector.broadcast %broadcast_in_dim3A_478 : i32 to vector<16xi32>
    %eq3A_480 = arith.constant 1 : i32
    %eq3A_481 = vector.broadcast %eq3A_480 : i32 to vector<16xi32>
    %eq3A_482 = arith.cmpi eq, %iota3A, %eq3A_481 : vector<16xi32>
    %jit3A_483 = arith.constant 1222420152 : i32
    %broadcast_in_dim3A_484 = vector.broadcast %jit3A_483 : i32 to vector<16xi32>
    %select_n3A_485 = arith.select %eq3A_482, %broadcast_in_dim3A_484, %broadcast_in_dim3A_479 : vector<16xi1>, vector<16xi32>
    %eq3A_486 = arith.constant 2 : i32
    %eq3A_487 = vector.broadcast %eq3A_486 : i32 to vector<16xi32>
    %eq3A_488 = arith.cmpi eq, %iota3A, %eq3A_487 : vector<16xi32>
    %jit3A_489 = arith.constant 1058365576 : i32
    %broadcast_in_dim3A_490 = vector.broadcast %jit3A_489 : i32 to vector<16xi32>
    %select_n3A_491 = arith.select %eq3A_488, %broadcast_in_dim3A_490, %select_n3A_485 : vector<16xi1>, vector<16xi32>
    %eq3A_492 = arith.constant 3 : i32
    %eq3A_493 = vector.broadcast %eq3A_492 : i32 to vector<16xi32>
    %eq3A_494 = arith.cmpi eq, %iota3A, %eq3A_493 : vector<16xi32>
    %jit3A_495 = arith.constant -604148095 : i32
    %broadcast_in_dim3A_496 = vector.broadcast %jit3A_495 : i32 to vector<16xi32>
    %select_n3A_497 = arith.select %eq3A_494, %broadcast_in_dim3A_496, %select_n3A_491 : vector<16xi1>, vector<16xi32>
    %eq3A_498 = arith.constant 4 : i32
    %eq3A_499 = vector.broadcast %eq3A_498 : i32 to vector<16xi32>
    %eq3A_500 = arith.cmpi eq, %iota3A, %eq3A_499 : vector<16xi32>
    %jit3A_501 = arith.constant 1494513664 : i32
    %broadcast_in_dim3A_502 = vector.broadcast %jit3A_501 : i32 to vector<16xi32>
    %select_n3A_503 = arith.select %eq3A_500, %broadcast_in_dim3A_502, %select_n3A_497 : vector<16xi1>, vector<16xi32>
    %eq3A_504 = arith.constant 5 : i32
    %eq3A_505 = vector.broadcast %eq3A_504 : i32 to vector<16xi32>
    %eq3A_506 = arith.cmpi eq, %iota3A, %eq3A_505 : vector<16xi32>
    %jit3A_507 = arith.constant 857517432 : i32
    %broadcast_in_dim3A_508 = vector.broadcast %jit3A_507 : i32 to vector<16xi32>
    %select_n3A_509 = arith.select %eq3A_506, %broadcast_in_dim3A_508, %select_n3A_503 : vector<16xi1>, vector<16xi32>
    %eq3A_510 = arith.constant 6 : i32
    %eq3A_511 = vector.broadcast %eq3A_510 : i32 to vector<16xi32>
    %eq3A_512 = arith.cmpi eq, %iota3A, %eq3A_511 : vector<16xi32>
    %jit3A_513 = arith.constant 961324444 : i32
    %broadcast_in_dim3A_514 = vector.broadcast %jit3A_513 : i32 to vector<16xi32>
    %select_n3A_515 = arith.select %eq3A_512, %broadcast_in_dim3A_514, %select_n3A_509 : vector<16xi1>, vector<16xi32>
    %eq3A_516 = arith.constant 7 : i32
    %eq3A_517 = vector.broadcast %eq3A_516 : i32 to vector<16xi32>
    %eq3A_518 = arith.cmpi eq, %iota3A, %eq3A_517 : vector<16xi32>
    %jit3A_519 = arith.constant -2087781505 : i32
    %broadcast_in_dim3A_520 = vector.broadcast %jit3A_519 : i32 to vector<16xi32>
    %select_n3A_521 = arith.select %eq3A_518, %broadcast_in_dim3A_520, %select_n3A_515 : vector<16xi1>, vector<16xi32>
    %eq3A_522 = arith.constant 8 : i32
    %eq3A_523 = vector.broadcast %eq3A_522 : i32 to vector<16xi32>
    %eq3A_524 = arith.cmpi eq, %iota3A, %eq3A_523 : vector<16xi32>
    %jit3A_525 = arith.constant 160837711 : i32
    %broadcast_in_dim3A_526 = vector.broadcast %jit3A_525 : i32 to vector<16xi32>
    %select_n3A_527 = arith.select %eq3A_524, %broadcast_in_dim3A_526, %select_n3A_521 : vector<16xi1>, vector<16xi32>
    %eq3A_528 = arith.constant 9 : i32
    %eq3A_529 = vector.broadcast %eq3A_528 : i32 to vector<16xi32>
    %eq3A_530 = arith.cmpi eq, %iota3A, %eq3A_529 : vector<16xi32>
    %jit3A_531 = arith.constant 777435963 : i32
    %broadcast_in_dim3A_532 = vector.broadcast %jit3A_531 : i32 to vector<16xi32>
    %select_n3A_533 = arith.select %eq3A_530, %broadcast_in_dim3A_532, %select_n3A_527 : vector<16xi1>, vector<16xi32>
    %eq3A_534 = arith.constant 10 : i32
    %eq3A_535 = vector.broadcast %eq3A_534 : i32 to vector<16xi32>
    %eq3A_536 = arith.cmpi eq, %iota3A, %eq3A_535 : vector<16xi32>
    %jit3A_537 = arith.constant 1474751392 : i32
    %broadcast_in_dim3A_538 = vector.broadcast %jit3A_537 : i32 to vector<16xi32>
    %select_n3A_539 = arith.select %eq3A_536, %broadcast_in_dim3A_538, %select_n3A_533 : vector<16xi1>, vector<16xi32>
    %eq3A_540 = arith.constant 11 : i32
    %eq3A_541 = vector.broadcast %eq3A_540 : i32 to vector<16xi32>
    %eq3A_542 = arith.cmpi eq, %iota3A, %eq3A_541 : vector<16xi32>
    %jit3A_543 = arith.constant -2090371421 : i32
    %broadcast_in_dim3A_544 = vector.broadcast %jit3A_543 : i32 to vector<16xi32>
    %select_n3A_545 = arith.select %eq3A_542, %broadcast_in_dim3A_544, %select_n3A_539 : vector<16xi1>, vector<16xi32>
    %eq3A_546 = arith.constant 12 : i32
    %eq3A_547 = vector.broadcast %eq3A_546 : i32 to vector<16xi32>
    %eq3A_548 = arith.cmpi eq, %iota3A, %eq3A_547 : vector<16xi32>
    %jit3A_549 = arith.constant -123795654 : i32
    %broadcast_in_dim3A_550 = vector.broadcast %jit3A_549 : i32 to vector<16xi32>
    %select_n3A_551 = arith.select %eq3A_548, %broadcast_in_dim3A_550, %select_n3A_545 : vector<16xi1>, vector<16xi32>
    %eq3A_552 = arith.constant 13 : i32
    %eq3A_553 = vector.broadcast %eq3A_552 : i32 to vector<16xi32>
    %eq3A_554 = arith.cmpi eq, %iota3A, %eq3A_553 : vector<16xi32>
    %jit3A_555 = arith.constant 1155410749 : i32
    %broadcast_in_dim3A_556 = vector.broadcast %jit3A_555 : i32 to vector<16xi32>
    %select_n3A_557 = arith.select %eq3A_554, %broadcast_in_dim3A_556, %select_n3A_551 : vector<16xi1>, vector<16xi32>
    %eq3A_558 = arith.constant 14 : i32
    %eq3A_559 = vector.broadcast %eq3A_558 : i32 to vector<16xi32>
    %eq3A_560 = arith.cmpi eq, %iota3A, %eq3A_559 : vector<16xi32>
    %jit3A_561 = arith.constant 1737147841 : i32
    %broadcast_in_dim3A_562 = vector.broadcast %jit3A_561 : i32 to vector<16xi32>
    %select_n3A_563 = arith.select %eq3A_560, %broadcast_in_dim3A_562, %select_n3A_557 : vector<16xi1>, vector<16xi32>
    %eq3A_564 = arith.constant 15 : i32
    %eq3A_565 = vector.broadcast %eq3A_564 : i32 to vector<16xi32>
    %eq3A_566 = arith.cmpi eq, %iota3A, %eq3A_565 : vector<16xi32>
    %jit3A_567 = arith.constant 726086716 : i32
    %broadcast_in_dim3A_568 = vector.broadcast %jit3A_567 : i32 to vector<16xi32>
    %select_n3A_569 = arith.select %eq3A_566, %broadcast_in_dim3A_568, %select_n3A_563 : vector<16xi1>, vector<16xi32>
    %add3A_570 = arith.constant 80 : i32
    %add3A_571 = vector.broadcast %add3A_570 : i32 to vector<16xi32>
    %add3A_572 = arith.addi %iota3A, %add3A_571 : vector<16xi32>
    tpu.vector_store_idx %arg10[%add3A_572], %select_n3A_569 : memref<112xi32, #tpu.memory_space<vmem>>[vector<16xi32>], vector<16xi32>,
    %broadcast_in_dim3A_573 = arith.constant 1371260977 : i32
    %broadcast_in_dim3A_574 = vector.broadcast %broadcast_in_dim3A_573 : i32 to vector<16xi32>
    %eq3A_575 = arith.constant 1 : i32
    %eq3A_576 = vector.broadcast %eq3A_575 : i32 to vector<16xi32>
    %eq3A_577 = arith.cmpi eq, %iota3A, %eq3A_576 : vector<16xi32>
    %jit3A_578 = arith.constant 153485627 : i32
    %broadcast_in_dim3A_579 = vector.broadcast %jit3A_578 : i32 to vector<16xi32>
    %select_n3A_580 = arith.select %eq3A_577, %broadcast_in_dim3A_579, %broadcast_in_dim3A_574 : vector<16xi1>, vector<16xi32>
    %eq3A_581 = arith.constant 2 : i32
    %eq3A_582 = vector.broadcast %eq3A_581 : i32 to vector<16xi32>
    %eq3A_583 = arith.cmpi eq, %iota3A, %eq3A_582 : vector<16xi32>
    %jit3A_584 = arith.constant 0 : i32
    %broadcast_in_dim3A_585 = vector.broadcast %jit3A_584 : i32 to vector<16xi32>
    %select_n3A_586 = arith.select %eq3A_583, %broadcast_in_dim3A_585, %select_n3A_580 : vector<16xi1>, vector<16xi32>
    %eq3A_587 = arith.constant 3 : i32
    %eq3A_588 = vector.broadcast %eq3A_587 : i32 to vector<16xi32>
    %eq3A_589 = arith.cmpi eq, %iota3A, %eq3A_588 : vector<16xi32>
    %jit3A_590 = arith.constant 0 : i32
    %broadcast_in_dim3A_591 = vector.broadcast %jit3A_590 : i32 to vector<16xi32>
    %select_n3A_592 = arith.select %eq3A_589, %broadcast_in_dim3A_591, %select_n3A_586 : vector<16xi1>, vector<16xi32>
    %eq3A_593 = arith.constant 4 : i32
    %eq3A_594 = vector.broadcast %eq3A_593 : i32 to vector<16xi32>
    %eq3A_595 = arith.cmpi eq, %iota3A, %eq3A_594 : vector<16xi32>
    %jit3A_596 = arith.constant 0 : i32
    %broadcast_in_dim3A_597 = vector.broadcast %jit3A_596 : i32 to vector<16xi32>
    %select_n3A_598 = arith.select %eq3A_595, %broadcast_in_dim3A_597, %select_n3A_592 : vector<16xi1>, vector<16xi32>
    %eq3A_599 = arith.constant 5 : i32
    %eq3A_600 = vector.broadcast %eq3A_599 : i32 to vector<16xi32>
    %eq3A_601 = arith.cmpi eq, %iota3A, %eq3A_600 : vector<16xi32>
    %jit3A_602 = arith.constant 0 : i32
    %broadcast_in_dim3A_603 = vector.broadcast %jit3A_602 : i32 to vector<16xi32>
    %select_n3A_604 = arith.select %eq3A_601, %broadcast_in_dim3A_603, %select_n3A_598 : vector<16xi1>, vector<16xi32>
    %eq3A_605 = arith.constant 6 : i32
    %eq3A_606 = vector.broadcast %eq3A_605 : i32 to vector<16xi32>
    %eq3A_607 = arith.cmpi eq, %iota3A, %eq3A_606 : vector<16xi32>
    %jit3A_608 = arith.constant 0 : i32
    %broadcast_in_dim3A_609 = vector.broadcast %jit3A_608 : i32 to vector<16xi32>
    %select_n3A_610 = arith.select %eq3A_607, %broadcast_in_dim3A_609, %select_n3A_604 : vector<16xi1>, vector<16xi32>
    %eq3A_611 = arith.constant 7 : i32
    %eq3A_612 = vector.broadcast %eq3A_611 : i32 to vector<16xi32>
    %eq3A_613 = arith.cmpi eq, %iota3A, %eq3A_612 : vector<16xi32>
    %jit3A_614 = arith.constant 0 : i32
    %broadcast_in_dim3A_615 = vector.broadcast %jit3A_614 : i32 to vector<16xi32>
    %select_n3A_616 = arith.select %eq3A_613, %broadcast_in_dim3A_615, %select_n3A_610 : vector<16xi1>, vector<16xi32>
    %eq3A_617 = arith.constant 8 : i32
    %eq3A_618 = vector.broadcast %eq3A_617 : i32 to vector<16xi32>
    %eq3A_619 = arith.cmpi eq, %iota3A, %eq3A_618 : vector<16xi32>
    %jit3A_620 = arith.constant 0 : i32
    %broadcast_in_dim3A_621 = vector.broadcast %jit3A_620 : i32 to vector<16xi32>
    %select_n3A_622 = arith.select %eq3A_619, %broadcast_in_dim3A_621, %select_n3A_616 : vector<16xi1>, vector<16xi32>
    %eq3A_623 = arith.constant 9 : i32
    %eq3A_624 = vector.broadcast %eq3A_623 : i32 to vector<16xi32>
    %eq3A_625 = arith.cmpi eq, %iota3A, %eq3A_624 : vector<16xi32>
    %jit3A_626 = arith.constant 0 : i32
    %broadcast_in_dim3A_627 = vector.broadcast %jit3A_626 : i32 to vector<16xi32>
    %select_n3A_628 = arith.select %eq3A_625, %broadcast_in_dim3A_627, %select_n3A_622 : vector<16xi1>, vector<16xi32>
    %eq3A_629 = arith.constant 10 : i32
    %eq3A_630 = vector.broadcast %eq3A_629 : i32 to vector<16xi32>
    %eq3A_631 = arith.cmpi eq, %iota3A, %eq3A_630 : vector<16xi32>
    %jit3A_632 = arith.constant 0 : i32
    %broadcast_in_dim3A_633 = vector.broadcast %jit3A_632 : i32 to vector<16xi32>
    %select_n3A_634 = arith.select %eq3A_631, %broadcast_in_dim3A_633, %select_n3A_628 : vector<16xi1>, vector<16xi32>
    %eq3A_635 = arith.constant 11 : i32
    %eq3A_636 = vector.broadcast %eq3A_635 : i32 to vector<16xi32>
    %eq3A_637 = arith.cmpi eq, %iota3A, %eq3A_636 : vector<16xi32>
    %jit3A_638 = arith.constant 0 : i32
    %broadcast_in_dim3A_639 = vector.broadcast %jit3A_638 : i32 to vector<16xi32>
    %select_n3A_640 = arith.select %eq3A_637, %broadcast_in_dim3A_639, %select_n3A_634 : vector<16xi1>, vector<16xi32>
    %eq3A_641 = arith.constant 12 : i32
    %eq3A_642 = vector.broadcast %eq3A_641 : i32 to vector<16xi32>
    %eq3A_643 = arith.cmpi eq, %iota3A, %eq3A_642 : vector<16xi32>
    %jit3A_644 = arith.constant 0 : i32
    %broadcast_in_dim3A_645 = vector.broadcast %jit3A_644 : i32 to vector<16xi32>
    %select_n3A_646 = arith.select %eq3A_643, %broadcast_in_dim3A_645, %select_n3A_640 : vector<16xi1>, vector<16xi32>
    %eq3A_647 = arith.constant 13 : i32
    %eq3A_648 = vector.broadcast %eq3A_647 : i32 to vector<16xi32>
    %eq3A_649 = arith.cmpi eq, %iota3A, %eq3A_648 : vector<16xi32>
    %jit3A_650 = arith.constant 0 : i32
    %broadcast_in_dim3A_651 = vector.broadcast %jit3A_650 : i32 to vector<16xi32>
    %select_n3A_652 = arith.select %eq3A_649, %broadcast_in_dim3A_651, %select_n3A_646 : vector<16xi1>, vector<16xi32>
    %eq3A_653 = arith.constant 14 : i32
    %eq3A_654 = vector.broadcast %eq3A_653 : i32 to vector<16xi32>
    %eq3A_655 = arith.cmpi eq, %iota3A, %eq3A_654 : vector<16xi32>
    %jit3A_656 = arith.constant 0 : i32
    %broadcast_in_dim3A_657 = vector.broadcast %jit3A_656 : i32 to vector<16xi32>
    %select_n3A_658 = arith.select %eq3A_655, %broadcast_in_dim3A_657, %select_n3A_652 : vector<16xi1>, vector<16xi32>
    %eq3A_659 = arith.constant 15 : i32
    %eq3A_660 = vector.broadcast %eq3A_659 : i32 to vector<16xi32>
    %eq3A_661 = arith.cmpi eq, %iota3A, %eq3A_660 : vector<16xi32>
    %jit3A_662 = arith.constant 0 : i32
    %broadcast_in_dim3A_663 = vector.broadcast %jit3A_662 : i32 to vector<16xi32>
    %select_n3A_664 = arith.select %eq3A_661, %broadcast_in_dim3A_663, %select_n3A_658 : vector<16xi1>, vector<16xi32>
    %add3A_665 = arith.constant 96 : i32
    %add3A_666 = vector.broadcast %add3A_665 : i32 to vector<16xi32>
    %add3A_667 = arith.addi %iota3A, %add3A_666 : vector<16xi32>
    tpu.vector_store_idx %arg10[%add3A_667], %select_n3A_664 : memref<112xi32, #tpu.memory_space<vmem>>[vector<16xi32>], vector<16xi32>,
    %dma_wait3A = tpu.memref_slice %arg2[%mul3A_0] : memref<94080xf32, #tpu.memory_space<hbm>> -> memref<5880xf32, #tpu.memory_space<hbm>>
    %dma_wait3A_668 = tpu.memref_slice %arg2[%mul3A_0] : memref<94080xf32, #tpu.memory_space<hbm>> -> memref<5880xf32, #tpu.memory_space<hbm>>
    tpu.wait_dma2 semaphore(%arg15 : memref<!tpu.dma_semaphore, #tpu.memory_space<semaphore_mem>>) src(%dma_wait3A_668 : memref<5880xf32, #tpu.memory_space<hbm>>) dst(%arg8 : memref<5880xf32, #tpu.memory_space<vmem>>)
    %dma_wait3A_669 = tpu.memref_slice %arg3[%mul3A_3] : memref<94080xf32, #tpu.memory_space<hbm>> -> memref<5880xf32, #tpu.memory_space<hbm>>
    %dma_wait3A_670 = tpu.memref_slice %arg3[%mul3A_3] : memref<94080xf32, #tpu.memory_space<hbm>> -> memref<5880xf32, #tpu.memory_space<hbm>>
    tpu.wait_dma2 semaphore(%arg16 : memref<!tpu.dma_semaphore, #tpu.memory_space<semaphore_mem>>) src(%dma_wait3A_670 : memref<5880xf32, #tpu.memory_space<hbm>>) dst(%arg9 : memref<5880xf32, #tpu.memory_space<vmem>>)
    %parallel_loop3A = arith.constant 0 : i32
    %parallel_loop3A_671 = arith.constant 13 : i32
    %parallel_loop3A_672 = arith.constant 1 : i32
    %parallel_loop3A_673:11 = scf.for %parallel_loop3A_779 = %parallel_loop3A to %parallel_loop3A_671 step %parallel_loop3A_672 iter_args(%parallel_loop3A_780 = %broadcast_in_dim3A_6, %parallel_loop3A_781 = %broadcast_in_dim3A_6, %parallel_loop3A_782 = %broadcast_in_dim3A_6, %parallel_loop3A_783 = %broadcast_in_dim3A_6, %parallel_loop3A_784 = %broadcast_in_dim3A_6, %parallel_loop3A_785 = %broadcast_in_dim3A_6, %parallel_loop3A_786 = %broadcast_in_dim3A_6, %parallel_loop3A_787 = %broadcast_in_dim3A_6, %parallel_loop3A_788 = %broadcast_in_dim3A_6, %parallel_loop3A_789 = %broadcast_in_dim3A_6, %parallel_loop3A_790 = %broadcast_in_dim3A_6) -> (vector<16xf32>, vector<16xf32>, vector<16xf32>, vector<16xf32>, vector<16xf32>, vector<16xf32>, vector<16xf32>, vector<16xf32>, vector<16xf32>, vector<16xf32>, vector<16xf32>)  : i32 {
      %parallel_loop3A_791 = arith.constant 16 : i32
      %parallel_loop3A_792 = arith.muli %parallel_loop3A_779, %parallel_loop3A_791 : i32
      %parallel_loop3A_793 = vector.broadcast %parallel_loop3A_792 : i32 to vector<16xi32>
      %parallel_loop3A_794 = arith.addi %parallel_loop3A_793, %iota3A : vector<16xi32>
      %parallel_loop3A_795 = arith.constant 196 : i32
      %parallel_loop3A_796 = vector.broadcast %parallel_loop3A_795 : i32 to vector<16xi32>
      %parallel_loop3A_797 = arith.cmpi slt, %parallel_loop3A_794, %parallel_loop3A_796 : vector<16xi32>
      %parallel_loop3A_798 = arith.constant 195 : i32
      %parallel_loop3A_799 = vector.broadcast %parallel_loop3A_798 : i32 to vector<16xi32>
      %parallel_loop3A_800 = arith.minsi %parallel_loop3A_794, %parallel_loop3A_799 : vector<16xi32>
      %parallel_loop3A_801 = arith.constant 30 : i32
      %parallel_loop3A_802 = vector.broadcast %parallel_loop3A_801 : i32 to vector<16xi32>
      %parallel_loop3A_803 = arith.muli %parallel_loop3A_800, %parallel_loop3A_802 : vector<16xi32>
      %parallel_loop3A_804 = arith.constant 0 : i32
      %parallel_loop3A_805 = vector.broadcast %parallel_loop3A_804 : i32 to vector<16xi32>
      %parallel_loop3A_806 = arith.addi %parallel_loop3A_803, %parallel_loop3A_805 : vector<16xi32>
      %parallel_loop3A_807 = tpu.vector_load_idx %arg8[%parallel_loop3A_806] : memref<5880xf32, #tpu.memory_space<vmem>>[vector<16xi32>], vector<16xf32>,
      %parallel_loop3A_808 = arith.constant 0 : i32
      %parallel_loop3A_809 = vector.broadcast %parallel_loop3A_808 : i32 to vector<16xi32>
      %parallel_loop3A_810 = arith.addi %parallel_loop3A_803, %parallel_loop3A_809 : vector<16xi32>
      %parallel_loop3A_811 = tpu.vector_load_idx %arg9[%parallel_loop3A_810] : memref<5880xf32, #tpu.memory_space<vmem>>[vector<16xi32>], vector<16xf32>,
      %parallel_loop3A_812 = arith.subf %parallel_loop3A_807, %parallel_loop3A_811 : vector<16xf32>
      %parallel_loop3A_813 = arith.mulf %parallel_loop3A_812, %parallel_loop3A_812 : vector<16xf32>
      %parallel_loop3A_814 = arith.addf %broadcast_in_dim3A_6, %parallel_loop3A_813 : vector<16xf32>
      %parallel_loop3A_815 = arith.constant 1 : i32
      %parallel_loop3A_816 = vector.broadcast %parallel_loop3A_815 : i32 to vector<16xi32>
      %parallel_loop3A_817 = arith.addi %parallel_loop3A_803, %parallel_loop3A_816 : vector<16xi32>
      %parallel_loop3A_818 = tpu.vector_load_idx %arg8[%parallel_loop3A_817] : memref<5880xf32, #tpu.memory_space<vmem>>[vector<16xi32>], vector<16xf32>,
      %parallel_loop3A_819 = arith.constant 1 : i32
      %parallel_loop3A_820 = vector.broadcast %parallel_loop3A_819 : i32 to vector<16xi32>
      %parallel_loop3A_821 = arith.addi %parallel_loop3A_803, %parallel_loop3A_820 : vector<16xi32>
      %parallel_loop3A_822 = tpu.vector_load_idx %arg9[%parallel_loop3A_821] : memref<5880xf32, #tpu.memory_space<vmem>>[vector<16xi32>], vector<16xf32>,
      %parallel_loop3A_823 = arith.subf %parallel_loop3A_818, %parallel_loop3A_822 : vector<16xf32>
      %parallel_loop3A_824 = arith.mulf %parallel_loop3A_823, %parallel_loop3A_823 : vector<16xf32>
      %parallel_loop3A_825 = arith.addf %parallel_loop3A_814, %parallel_loop3A_824 : vector<16xf32>
      %parallel_loop3A_826 = arith.constant 2 : i32
      %parallel_loop3A_827 = vector.broadcast %parallel_loop3A_826 : i32 to vector<16xi32>
      %parallel_loop3A_828 = arith.addi %parallel_loop3A_803, %parallel_loop3A_827 : vector<16xi32>
      %parallel_loop3A_829 = tpu.vector_load_idx %arg8[%parallel_loop3A_828] : memref<5880xf32, #tpu.memory_space<vmem>>[vector<16xi32>], vector<16xf32>,
      %parallel_loop3A_830 = arith.constant 2 : i32
      %parallel_loop3A_831 = vector.broadcast %parallel_loop3A_830 : i32 to vector<16xi32>
      %parallel_loop3A_832 = arith.addi %parallel_loop3A_803, %parallel_loop3A_831 : vector<16xi32>
      %parallel_loop3A_833 = tpu.vector_load_idx %arg9[%parallel_loop3A_832] : memref<5880xf32, #tpu.memory_space<vmem>>[vector<16xi32>], vector<16xf32>,
      %parallel_loop3A_834 = arith.subf %parallel_loop3A_829, %parallel_loop3A_833 : vector<16xf32>
      %parallel_loop3A_835 = arith.mulf %parallel_loop3A_834, %parallel_loop3A_834 : vector<16xf32>
      %parallel_loop3A_836 = arith.addf %parallel_loop3A_825, %parallel_loop3A_835 : vector<16xf32>
      %parallel_loop3A_837 = arith.constant 3 : i32
      %parallel_loop3A_838 = vector.broadcast %parallel_loop3A_837 : i32 to vector<16xi32>
      %parallel_loop3A_839 = arith.addi %parallel_loop3A_803, %parallel_loop3A_838 : vector<16xi32>
      %parallel_loop3A_840 = tpu.vector_load_idx %arg8[%parallel_loop3A_839] : memref<5880xf32, #tpu.memory_space<vmem>>[vector<16xi32>], vector<16xf32>,
      %parallel_loop3A_841 = arith.constant 3 : i32
      %parallel_loop3A_842 = vector.broadcast %parallel_loop3A_841 : i32 to vector<16xi32>
      %parallel_loop3A_843 = arith.addi %parallel_loop3A_803, %parallel_loop3A_842 : vector<16xi32>
      %parallel_loop3A_844 = tpu.vector_load_idx %arg9[%parallel_loop3A_843] : memref<5880xf32, #tpu.memory_space<vmem>>[vector<16xi32>], vector<16xf32>,
      %parallel_loop3A_845 = arith.subf %parallel_loop3A_840, %parallel_loop3A_844 : vector<16xf32>
      %parallel_loop3A_846 = arith.mulf %parallel_loop3A_845, %parallel_loop3A_845 : vector<16xf32>
      %parallel_loop3A_847 = arith.addf %parallel_loop3A_836, %parallel_loop3A_846 : vector<16xf32>
      %parallel_loop3A_848 = arith.constant 4 : i32
      %parallel_loop3A_849 = vector.broadcast %parallel_loop3A_848 : i32 to vector<16xi32>
      %parallel_loop3A_850 = arith.addi %parallel_loop3A_803, %parallel_loop3A_849 : vector<16xi32>
      %parallel_loop3A_851 = tpu.vector_load_idx %arg8[%parallel_loop3A_850] : memref<5880xf32, #tpu.memory_space<vmem>>[vector<16xi32>], vector<16xf32>,
      %parallel_loop3A_852 = arith.constant 4 : i32
      %parallel_loop3A_853 = vector.broadcast %parallel_loop3A_852 : i32 to vector<16xi32>
      %parallel_loop3A_854 = arith.addi %parallel_loop3A_803, %parallel_loop3A_853 : vector<16xi32>
      %parallel_loop3A_855 = tpu.vector_load_idx %arg9[%parallel_loop3A_854] : memref<5880xf32, #tpu.memory_space<vmem>>[vector<16xi32>], vector<16xf32>,
      %parallel_loop3A_856 = arith.constant 5 : i32
      %parallel_loop3A_857 = vector.broadcast %parallel_loop3A_856 : i32 to vector<16xi32>
      %parallel_loop3A_858 = arith.addi %parallel_loop3A_803, %parallel_loop3A_857 : vector<16xi32>
      %parallel_loop3A_859 = tpu.vector_load_idx %arg8[%parallel_loop3A_858] : memref<5880xf32, #tpu.memory_space<vmem>>[vector<16xi32>], vector<16xf32>,
      %parallel_loop3A_860 = arith.constant 5 : i32
      %parallel_loop3A_861 = vector.broadcast %parallel_loop3A_860 : i32 to vector<16xi32>
      %parallel_loop3A_862 = arith.addi %parallel_loop3A_803, %parallel_loop3A_861 : vector<16xi32>
      %parallel_loop3A_863 = tpu.vector_load_idx %arg9[%parallel_loop3A_862] : memref<5880xf32, #tpu.memory_space<vmem>>[vector<16xi32>], vector<16xf32>,
      %parallel_loop3A_864 = arith.subf %parallel_loop3A_859, %parallel_loop3A_863 : vector<16xf32>
      %parallel_loop3A_865 = arith.mulf %parallel_loop3A_864, %parallel_loop3A_864 : vector<16xf32>
      %parallel_loop3A_866 = arith.addf %broadcast_in_dim3A_6, %parallel_loop3A_865 : vector<16xf32>
      %parallel_loop3A_867 = arith.constant 6 : i32
      %parallel_loop3A_868 = vector.broadcast %parallel_loop3A_867 : i32 to vector<16xi32>
      %parallel_loop3A_869 = arith.addi %parallel_loop3A_803, %parallel_loop3A_868 : vector<16xi32>
      %parallel_loop3A_870 = tpu.vector_load_idx %arg8[%parallel_loop3A_869] : memref<5880xf32, #tpu.memory_space<vmem>>[vector<16xi32>], vector<16xf32>,
      %parallel_loop3A_871 = arith.constant 6 : i32
      %parallel_loop3A_872 = vector.broadcast %parallel_loop3A_871 : i32 to vector<16xi32>
      %parallel_loop3A_873 = arith.addi %parallel_loop3A_803, %parallel_loop3A_872 : vector<16xi32>
      %parallel_loop3A_874 = tpu.vector_load_idx %arg9[%parallel_loop3A_873] : memref<5880xf32, #tpu.memory_space<vmem>>[vector<16xi32>], vector<16xf32>,
      %parallel_loop3A_875 = arith.subf %parallel_loop3A_870, %parallel_loop3A_874 : vector<16xf32>
      %parallel_loop3A_876 = arith.mulf %parallel_loop3A_875, %parallel_loop3A_875 : vector<16xf32>
      %parallel_loop3A_877 = arith.addf %parallel_loop3A_866, %parallel_loop3A_876 : vector<16xf32>
      %parallel_loop3A_878 = arith.constant 7 : i32
      %parallel_loop3A_879 = vector.broadcast %parallel_loop3A_878 : i32 to vector<16xi32>
      %parallel_loop3A_880 = arith.addi %parallel_loop3A_803, %parallel_loop3A_879 : vector<16xi32>
      %parallel_loop3A_881 = tpu.vector_load_idx %arg8[%parallel_loop3A_880] : memref<5880xf32, #tpu.memory_space<vmem>>[vector<16xi32>], vector<16xf32>,
      %parallel_loop3A_882 = arith.constant 7 : i32
      %parallel_loop3A_883 = vector.broadcast %parallel_loop3A_882 : i32 to vector<16xi32>
      %parallel_loop3A_884 = arith.addi %parallel_loop3A_803, %parallel_loop3A_883 : vector<16xi32>
      %parallel_loop3A_885 = tpu.vector_load_idx %arg9[%parallel_loop3A_884] : memref<5880xf32, #tpu.memory_space<vmem>>[vector<16xi32>], vector<16xf32>,
      %parallel_loop3A_886 = arith.subf %parallel_loop3A_881, %parallel_loop3A_885 : vector<16xf32>
      %parallel_loop3A_887 = arith.mulf %parallel_loop3A_886, %parallel_loop3A_886 : vector<16xf32>
      %parallel_loop3A_888 = arith.addf %parallel_loop3A_877, %parallel_loop3A_887 : vector<16xf32>
      %parallel_loop3A_889 = arith.constant 8 : i32
      %parallel_loop3A_890 = vector.broadcast %parallel_loop3A_889 : i32 to vector<16xi32>
      %parallel_loop3A_891 = arith.addi %parallel_loop3A_803, %parallel_loop3A_890 : vector<16xi32>
      %parallel_loop3A_892 = tpu.vector_load_idx %arg8[%parallel_loop3A_891] : memref<5880xf32, #tpu.memory_space<vmem>>[vector<16xi32>], vector<16xf32>,
      %parallel_loop3A_893 = arith.constant 8 : i32
      %parallel_loop3A_894 = vector.broadcast %parallel_loop3A_893 : i32 to vector<16xi32>
      %parallel_loop3A_895 = arith.addi %parallel_loop3A_803, %parallel_loop3A_894 : vector<16xi32>
      %parallel_loop3A_896 = tpu.vector_load_idx %arg9[%parallel_loop3A_895] : memref<5880xf32, #tpu.memory_space<vmem>>[vector<16xi32>], vector<16xf32>,
      %parallel_loop3A_897 = arith.subf %parallel_loop3A_892, %parallel_loop3A_896 : vector<16xf32>
      %parallel_loop3A_898 = arith.mulf %parallel_loop3A_897, %parallel_loop3A_897 : vector<16xf32>
      %parallel_loop3A_899 = arith.addf %parallel_loop3A_888, %parallel_loop3A_898 : vector<16xf32>
      %parallel_loop3A_900 = arith.constant 9 : i32
      %parallel_loop3A_901 = vector.broadcast %parallel_loop3A_900 : i32 to vector<16xi32>
      %parallel_loop3A_902 = arith.addi %parallel_loop3A_803, %parallel_loop3A_901 : vector<16xi32>
      %parallel_loop3A_903 = tpu.vector_load_idx %arg8[%parallel_loop3A_902] : memref<5880xf32, #tpu.memory_space<vmem>>[vector<16xi32>], vector<16xf32>,
      %parallel_loop3A_904 = arith.constant 9 : i32
      %parallel_loop3A_905 = vector.broadcast %parallel_loop3A_904 : i32 to vector<16xi32>
      %parallel_loop3A_906 = arith.addi %parallel_loop3A_803, %parallel_loop3A_905 : vector<16xi32>
      %parallel_loop3A_907 = tpu.vector_load_idx %arg9[%parallel_loop3A_906] : memref<5880xf32, #tpu.memory_space<vmem>>[vector<16xi32>], vector<16xf32>,
      %parallel_loop3A_908 = arith.constant 10 : i32
      %parallel_loop3A_909 = vector.broadcast %parallel_loop3A_908 : i32 to vector<16xi32>
      %parallel_loop3A_910 = arith.addi %parallel_loop3A_803, %parallel_loop3A_909 : vector<16xi32>
      %parallel_loop3A_911 = tpu.vector_load_idx %arg8[%parallel_loop3A_910] : memref<5880xf32, #tpu.memory_space<vmem>>[vector<16xi32>], vector<16xf32>,
      %parallel_loop3A_912 = arith.constant 10 : i32
      %parallel_loop3A_913 = vector.broadcast %parallel_loop3A_912 : i32 to vector<16xi32>
      %parallel_loop3A_914 = arith.addi %parallel_loop3A_803, %parallel_loop3A_913 : vector<16xi32>
      %parallel_loop3A_915 = tpu.vector_load_idx %arg9[%parallel_loop3A_914] : memref<5880xf32, #tpu.memory_space<vmem>>[vector<16xi32>], vector<16xf32>,
      %parallel_loop3A_916 = arith.subf %parallel_loop3A_911, %parallel_loop3A_915 : vector<16xf32>
      %parallel_loop3A_917 = arith.mulf %parallel_loop3A_916, %parallel_loop3A_916 : vector<16xf32>
      %parallel_loop3A_918 = arith.addf %broadcast_in_dim3A_6, %parallel_loop3A_917 : vector<16xf32>
      %parallel_loop3A_919 = arith.constant 11 : i32
      %parallel_loop3A_920 = vector.broadcast %parallel_loop3A_919 : i32 to vector<16xi32>
      %parallel_loop3A_921 = arith.addi %parallel_loop3A_803, %parallel_loop3A_920 : vector<16xi32>
      %parallel_loop3A_922 = tpu.vector_load_idx %arg8[%parallel_loop3A_921] : memref<5880xf32, #tpu.memory_space<vmem>>[vector<16xi32>], vector<16xf32>,
      %parallel_loop3A_923 = arith.constant 11 : i32
      %parallel_loop3A_924 = vector.broadcast %parallel_loop3A_923 : i32 to vector<16xi32>
      %parallel_loop3A_925 = arith.addi %parallel_loop3A_803, %parallel_loop3A_924 : vector<16xi32>
      %parallel_loop3A_926 = tpu.vector_load_idx %arg9[%parallel_loop3A_925] : memref<5880xf32, #tpu.memory_space<vmem>>[vector<16xi32>], vector<16xf32>,
      %parallel_loop3A_927 = arith.subf %parallel_loop3A_922, %parallel_loop3A_926 : vector<16xf32>
      %parallel_loop3A_928 = arith.mulf %parallel_loop3A_927, %parallel_loop3A_927 : vector<16xf32>
      %parallel_loop3A_929 = arith.addf %parallel_loop3A_918, %parallel_loop3A_928 : vector<16xf32>
      %parallel_loop3A_930 = arith.constant 12 : i32
      %parallel_loop3A_931 = vector.broadcast %parallel_loop3A_930 : i32 to vector<16xi32>
      %parallel_loop3A_932 = arith.addi %parallel_loop3A_803, %parallel_loop3A_931 : vector<16xi32>
      %parallel_loop3A_933 = tpu.vector_load_idx %arg8[%parallel_loop3A_932] : memref<5880xf32, #tpu.memory_space<vmem>>[vector<16xi32>], vector<16xf32>,
      %parallel_loop3A_934 = arith.constant 12 : i32
      %parallel_loop3A_935 = vector.broadcast %parallel_loop3A_934 : i32 to vector<16xi32>
      %parallel_loop3A_936 = arith.addi %parallel_loop3A_803, %parallel_loop3A_935 : vector<16xi32>
      %parallel_loop3A_937 = tpu.vector_load_idx %arg9[%parallel_loop3A_936] : memref<5880xf32, #tpu.memory_space<vmem>>[vector<16xi32>], vector<16xf32>,
      %parallel_loop3A_938 = arith.subf %parallel_loop3A_933, %parallel_loop3A_937 : vector<16xf32>
      %parallel_loop3A_939 = arith.mulf %parallel_loop3A_938, %parallel_loop3A_938 : vector<16xf32>
      %parallel_loop3A_940 = arith.addf %parallel_loop3A_929, %parallel_loop3A_939 : vector<16xf32>
      %parallel_loop3A_941 = arith.constant 13 : i32
      %parallel_loop3A_942 = vector.broadcast %parallel_loop3A_941 : i32 to vector<16xi32>
      %parallel_loop3A_943 = arith.addi %parallel_loop3A_803, %parallel_loop3A_942 : vector<16xi32>
      %parallel_loop3A_944 = tpu.vector_load_idx %arg8[%parallel_loop3A_943] : memref<5880xf32, #tpu.memory_space<vmem>>[vector<16xi32>], vector<16xf32>,
      %parallel_loop3A_945 = arith.constant 13 : i32
      %parallel_loop3A_946 = vector.broadcast %parallel_loop3A_945 : i32 to vector<16xi32>
      %parallel_loop3A_947 = arith.addi %parallel_loop3A_803, %parallel_loop3A_946 : vector<16xi32>
      %parallel_loop3A_948 = tpu.vector_load_idx %arg9[%parallel_loop3A_947] : memref<5880xf32, #tpu.memory_space<vmem>>[vector<16xi32>], vector<16xf32>,
      %parallel_loop3A_949 = arith.subf %parallel_loop3A_944, %parallel_loop3A_948 : vector<16xf32>
      %parallel_loop3A_950 = arith.mulf %parallel_loop3A_949, %parallel_loop3A_949 : vector<16xf32>
      %parallel_loop3A_951 = arith.addf %parallel_loop3A_940, %parallel_loop3A_950 : vector<16xf32>
      %parallel_loop3A_952 = arith.constant 14 : i32
      %parallel_loop3A_953 = vector.broadcast %parallel_loop3A_952 : i32 to vector<16xi32>
      %parallel_loop3A_954 = arith.addi %parallel_loop3A_803, %parallel_loop3A_953 : vector<16xi32>
      %parallel_loop3A_955 = tpu.vector_load_idx %arg8[%parallel_loop3A_954] : memref<5880xf32, #tpu.memory_space<vmem>>[vector<16xi32>], vector<16xf32>,
      %parallel_loop3A_956 = arith.constant 14 : i32
      %parallel_loop3A_957 = vector.broadcast %parallel_loop3A_956 : i32 to vector<16xi32>
      %parallel_loop3A_958 = arith.addi %parallel_loop3A_803, %parallel_loop3A_957 : vector<16xi32>
      %parallel_loop3A_959 = tpu.vector_load_idx %arg9[%parallel_loop3A_958] : memref<5880xf32, #tpu.memory_space<vmem>>[vector<16xi32>], vector<16xf32>,
      %parallel_loop3A_960 = arith.subf %parallel_loop3A_955, %parallel_loop3A_959 : vector<16xf32>
      %parallel_loop3A_961 = arith.mulf %parallel_loop3A_960, %parallel_loop3A_960 : vector<16xf32>
      %parallel_loop3A_962 = arith.addf %parallel_loop3A_951, %parallel_loop3A_961 : vector<16xf32>
      %parallel_loop3A_963 = arith.constant 15 : i32
      %parallel_loop3A_964 = vector.broadcast %parallel_loop3A_963 : i32 to vector<16xi32>
      %parallel_loop3A_965 = arith.addi %parallel_loop3A_803, %parallel_loop3A_964 : vector<16xi32>
      %parallel_loop3A_966 = tpu.vector_load_idx %arg8[%parallel_loop3A_965] : memref<5880xf32, #tpu.memory_space<vmem>>[vector<16xi32>], vector<16xf32>,
      %parallel_loop3A_967 = arith.constant 15 : i32
      %parallel_loop3A_968 = vector.broadcast %parallel_loop3A_967 : i32 to vector<16xi32>
      %parallel_loop3A_969 = arith.addi %parallel_loop3A_803, %parallel_loop3A_968 : vector<16xi32>
      %parallel_loop3A_970 = tpu.vector_load_idx %arg9[%parallel_loop3A_969] : memref<5880xf32, #tpu.memory_space<vmem>>[vector<16xi32>], vector<16xf32>,
      %parallel_loop3A_971 = arith.subf %parallel_loop3A_966, %parallel_loop3A_970 : vector<16xf32>
      %parallel_loop3A_972 = arith.mulf %parallel_loop3A_971, %parallel_loop3A_971 : vector<16xf32>
      %parallel_loop3A_973 = arith.addf %parallel_loop3A_962, %parallel_loop3A_972 : vector<16xf32>
      %parallel_loop3A_974 = arith.constant 16 : i32
      %parallel_loop3A_975 = vector.broadcast %parallel_loop3A_974 : i32 to vector<16xi32>
      %parallel_loop3A_976 = arith.addi %parallel_loop3A_803, %parallel_loop3A_975 : vector<16xi32>
      %parallel_loop3A_977 = tpu.vector_load_idx %arg8[%parallel_loop3A_976] : memref<5880xf32, #tpu.memory_space<vmem>>[vector<16xi32>], vector<16xf32>,
      %parallel_loop3A_978 = arith.constant 16 : i32
      %parallel_loop3A_979 = vector.broadcast %parallel_loop3A_978 : i32 to vector<16xi32>
      %parallel_loop3A_980 = arith.addi %parallel_loop3A_803, %parallel_loop3A_979 : vector<16xi32>
      %parallel_loop3A_981 = tpu.vector_load_idx %arg9[%parallel_loop3A_980] : memref<5880xf32, #tpu.memory_space<vmem>>[vector<16xi32>], vector<16xf32>,
      %parallel_loop3A_982 = arith.subf %parallel_loop3A_977, %parallel_loop3A_981 : vector<16xf32>
      %parallel_loop3A_983 = arith.mulf %parallel_loop3A_982, %parallel_loop3A_982 : vector<16xf32>
      %parallel_loop3A_984 = arith.addf %parallel_loop3A_973, %parallel_loop3A_983 : vector<16xf32>
      %parallel_loop3A_985 = arith.constant 17 : i32
      %parallel_loop3A_986 = vector.broadcast %parallel_loop3A_985 : i32 to vector<16xi32>
      %parallel_loop3A_987 = arith.addi %parallel_loop3A_803, %parallel_loop3A_986 : vector<16xi32>
      %parallel_loop3A_988 = tpu.vector_load_idx %arg8[%parallel_loop3A_987] : memref<5880xf32, #tpu.memory_space<vmem>>[vector<16xi32>], vector<16xf32>,
      %parallel_loop3A_989 = arith.constant 17 : i32
      %parallel_loop3A_990 = vector.broadcast %parallel_loop3A_989 : i32 to vector<16xi32>
      %parallel_loop3A_991 = arith.addi %parallel_loop3A_803, %parallel_loop3A_990 : vector<16xi32>
      %parallel_loop3A_992 = tpu.vector_load_idx %arg9[%parallel_loop3A_991] : memref<5880xf32, #tpu.memory_space<vmem>>[vector<16xi32>], vector<16xf32>,
      %parallel_loop3A_993 = arith.subf %parallel_loop3A_988, %parallel_loop3A_992 : vector<16xf32>
      %parallel_loop3A_994 = arith.mulf %parallel_loop3A_993, %parallel_loop3A_993 : vector<16xf32>
      %parallel_loop3A_995 = arith.addf %parallel_loop3A_984, %parallel_loop3A_994 : vector<16xf32>
      %parallel_loop3A_996 = arith.constant 18 : i32
      %parallel_loop3A_997 = vector.broadcast %parallel_loop3A_996 : i32 to vector<16xi32>
      %parallel_loop3A_998 = arith.addi %parallel_loop3A_803, %parallel_loop3A_997 : vector<16xi32>
      %parallel_loop3A_999 = tpu.vector_load_idx %arg8[%parallel_loop3A_998] : memref<5880xf32, #tpu.memory_space<vmem>>[vector<16xi32>], vector<16xf32>,
      %parallel_loop3A_1000 = arith.constant 18 : i32
      %parallel_loop3A_1001 = vector.broadcast %parallel_loop3A_1000 : i32 to vector<16xi32>
      %parallel_loop3A_1002 = arith.addi %parallel_loop3A_803, %parallel_loop3A_1001 : vector<16xi32>
      %parallel_loop3A_1003 = tpu.vector_load_idx %arg9[%parallel_loop3A_1002] : memref<5880xf32, #tpu.memory_space<vmem>>[vector<16xi32>], vector<16xf32>,
      %parallel_loop3A_1004 = arith.subf %parallel_loop3A_999, %parallel_loop3A_1003 : vector<16xf32>
      %parallel_loop3A_1005 = arith.mulf %parallel_loop3A_1004, %parallel_loop3A_1004 : vector<16xf32>
      %parallel_loop3A_1006 = arith.addf %parallel_loop3A_995, %parallel_loop3A_1005 : vector<16xf32>
      %parallel_loop3A_1007 = arith.constant 19 : i32
      %parallel_loop3A_1008 = vector.broadcast %parallel_loop3A_1007 : i32 to vector<16xi32>
      %parallel_loop3A_1009 = arith.addi %parallel_loop3A_803, %parallel_loop3A_1008 : vector<16xi32>
      %parallel_loop3A_1010 = tpu.vector_load_idx %arg8[%parallel_loop3A_1009] : memref<5880xf32, #tpu.memory_space<vmem>>[vector<16xi32>], vector<16xf32>,
      %parallel_loop3A_1011 = arith.constant 19 : i32
      %parallel_loop3A_1012 = vector.broadcast %parallel_loop3A_1011 : i32 to vector<16xi32>
      %parallel_loop3A_1013 = arith.addi %parallel_loop3A_803, %parallel_loop3A_1012 : vector<16xi32>
      %parallel_loop3A_1014 = tpu.vector_load_idx %arg9[%parallel_loop3A_1013] : memref<5880xf32, #tpu.memory_space<vmem>>[vector<16xi32>], vector<16xf32>,
      %parallel_loop3A_1015 = arith.subf %parallel_loop3A_1010, %parallel_loop3A_1014 : vector<16xf32>
      %parallel_loop3A_1016 = arith.mulf %parallel_loop3A_1015, %parallel_loop3A_1015 : vector<16xf32>
      %parallel_loop3A_1017 = arith.addf %parallel_loop3A_1006, %parallel_loop3A_1016 : vector<16xf32>
      %parallel_loop3A_1018 = arith.constant 20 : i32
      %parallel_loop3A_1019 = vector.broadcast %parallel_loop3A_1018 : i32 to vector<16xi32>
      %parallel_loop3A_1020 = arith.addi %parallel_loop3A_803, %parallel_loop3A_1019 : vector<16xi32>
      %parallel_loop3A_1021 = tpu.vector_load_idx %arg8[%parallel_loop3A_1020] : memref<5880xf32, #tpu.memory_space<vmem>>[vector<16xi32>], vector<16xf32>,
      %parallel_loop3A_1022 = arith.constant 20 : i32
      %parallel_loop3A_1023 = vector.broadcast %parallel_loop3A_1022 : i32 to vector<16xi32>
      %parallel_loop3A_1024 = arith.addi %parallel_loop3A_803, %parallel_loop3A_1023 : vector<16xi32>
      %parallel_loop3A_1025 = tpu.vector_load_idx %arg9[%parallel_loop3A_1024] : memref<5880xf32, #tpu.memory_space<vmem>>[vector<16xi32>], vector<16xf32>,
      %parallel_loop3A_1026 = arith.subf %parallel_loop3A_1021, %parallel_loop3A_1025 : vector<16xf32>
      %parallel_loop3A_1027 = arith.mulf %parallel_loop3A_1026, %parallel_loop3A_1026 : vector<16xf32>
      %parallel_loop3A_1028 = arith.addf %parallel_loop3A_1017, %parallel_loop3A_1027 : vector<16xf32>
      %parallel_loop3A_1029 = arith.constant 21 : i32
      %parallel_loop3A_1030 = vector.broadcast %parallel_loop3A_1029 : i32 to vector<16xi32>
      %parallel_loop3A_1031 = arith.addi %parallel_loop3A_803, %parallel_loop3A_1030 : vector<16xi32>
      %parallel_loop3A_1032 = tpu.vector_load_idx %arg8[%parallel_loop3A_1031] : memref<5880xf32, #tpu.memory_space<vmem>>[vector<16xi32>], vector<16xf32>,
      %parallel_loop3A_1033 = arith.constant 21 : i32
      %parallel_loop3A_1034 = vector.broadcast %parallel_loop3A_1033 : i32 to vector<16xi32>
      %parallel_loop3A_1035 = arith.addi %parallel_loop3A_803, %parallel_loop3A_1034 : vector<16xi32>
      %parallel_loop3A_1036 = tpu.vector_load_idx %arg9[%parallel_loop3A_1035] : memref<5880xf32, #tpu.memory_space<vmem>>[vector<16xi32>], vector<16xf32>,
      %parallel_loop3A_1037 = arith.subf %parallel_loop3A_1032, %parallel_loop3A_1036 : vector<16xf32>
      %parallel_loop3A_1038 = arith.mulf %parallel_loop3A_1037, %parallel_loop3A_1037 : vector<16xf32>
      %parallel_loop3A_1039 = arith.addf %parallel_loop3A_1028, %parallel_loop3A_1038 : vector<16xf32>
      %parallel_loop3A_1040 = arith.constant 22 : i32
      %parallel_loop3A_1041 = vector.broadcast %parallel_loop3A_1040 : i32 to vector<16xi32>
      %parallel_loop3A_1042 = arith.addi %parallel_loop3A_803, %parallel_loop3A_1041 : vector<16xi32>
      %parallel_loop3A_1043 = tpu.vector_load_idx %arg8[%parallel_loop3A_1042] : memref<5880xf32, #tpu.memory_space<vmem>>[vector<16xi32>], vector<16xf32>,
      %parallel_loop3A_1044 = arith.constant 22 : i32
      %parallel_loop3A_1045 = vector.broadcast %parallel_loop3A_1044 : i32 to vector<16xi32>
      %parallel_loop3A_1046 = arith.addi %parallel_loop3A_803, %parallel_loop3A_1045 : vector<16xi32>
      %parallel_loop3A_1047 = tpu.vector_load_idx %arg9[%parallel_loop3A_1046] : memref<5880xf32, #tpu.memory_space<vmem>>[vector<16xi32>], vector<16xf32>,
      %parallel_loop3A_1048 = arith.subf %parallel_loop3A_1043, %parallel_loop3A_1047 : vector<16xf32>
      %parallel_loop3A_1049 = arith.mulf %parallel_loop3A_1048, %parallel_loop3A_1048 : vector<16xf32>
      %parallel_loop3A_1050 = arith.addf %parallel_loop3A_1039, %parallel_loop3A_1049 : vector<16xf32>
      %parallel_loop3A_1051 = arith.constant 23 : i32
      %parallel_loop3A_1052 = vector.broadcast %parallel_loop3A_1051 : i32 to vector<16xi32>
      %parallel_loop3A_1053 = arith.addi %parallel_loop3A_803, %parallel_loop3A_1052 : vector<16xi32>
      %parallel_loop3A_1054 = tpu.vector_load_idx %arg8[%parallel_loop3A_1053] : memref<5880xf32, #tpu.memory_space<vmem>>[vector<16xi32>], vector<16xf32>,
      %parallel_loop3A_1055 = arith.constant 23 : i32
      %parallel_loop3A_1056 = vector.broadcast %parallel_loop3A_1055 : i32 to vector<16xi32>
      %parallel_loop3A_1057 = arith.addi %parallel_loop3A_803, %parallel_loop3A_1056 : vector<16xi32>
      %parallel_loop3A_1058 = tpu.vector_load_idx %arg9[%parallel_loop3A_1057] : memref<5880xf32, #tpu.memory_space<vmem>>[vector<16xi32>], vector<16xf32>,
      %parallel_loop3A_1059 = arith.subf %parallel_loop3A_1054, %parallel_loop3A_1058 : vector<16xf32>
      %parallel_loop3A_1060 = arith.mulf %parallel_loop3A_1059, %parallel_loop3A_1059 : vector<16xf32>
      %parallel_loop3A_1061 = arith.addf %parallel_loop3A_1050, %parallel_loop3A_1060 : vector<16xf32>
      %parallel_loop3A_1062 = arith.constant 24 : i32
      %parallel_loop3A_1063 = vector.broadcast %parallel_loop3A_1062 : i32 to vector<16xi32>
      %parallel_loop3A_1064 = arith.addi %parallel_loop3A_803, %parallel_loop3A_1063 : vector<16xi32>
      %parallel_loop3A_1065 = tpu.vector_load_idx %arg8[%parallel_loop3A_1064] : memref<5880xf32, #tpu.memory_space<vmem>>[vector<16xi32>], vector<16xf32>,
      %parallel_loop3A_1066 = arith.constant 24 : i32
      %parallel_loop3A_1067 = vector.broadcast %parallel_loop3A_1066 : i32 to vector<16xi32>
      %parallel_loop3A_1068 = arith.addi %parallel_loop3A_803, %parallel_loop3A_1067 : vector<16xi32>
      %parallel_loop3A_1069 = tpu.vector_load_idx %arg9[%parallel_loop3A_1068] : memref<5880xf32, #tpu.memory_space<vmem>>[vector<16xi32>], vector<16xf32>,
      %parallel_loop3A_1070 = arith.subf %parallel_loop3A_1065, %parallel_loop3A_1069 : vector<16xf32>
      %parallel_loop3A_1071 = arith.mulf %parallel_loop3A_1070, %parallel_loop3A_1070 : vector<16xf32>
      %parallel_loop3A_1072 = arith.addf %parallel_loop3A_1061, %parallel_loop3A_1071 : vector<16xf32>
      %parallel_loop3A_1073 = arith.constant 25 : i32
      %parallel_loop3A_1074 = vector.broadcast %parallel_loop3A_1073 : i32 to vector<16xi32>
      %parallel_loop3A_1075 = arith.addi %parallel_loop3A_803, %parallel_loop3A_1074 : vector<16xi32>
      %parallel_loop3A_1076 = tpu.vector_load_idx %arg8[%parallel_loop3A_1075] : memref<5880xf32, #tpu.memory_space<vmem>>[vector<16xi32>], vector<16xf32>,
      %parallel_loop3A_1077 = arith.constant 25 : i32
      %parallel_loop3A_1078 = vector.broadcast %parallel_loop3A_1077 : i32 to vector<16xi32>
      %parallel_loop3A_1079 = arith.addi %parallel_loop3A_803, %parallel_loop3A_1078 : vector<16xi32>
      %parallel_loop3A_1080 = tpu.vector_load_idx %arg9[%parallel_loop3A_1079] : memref<5880xf32, #tpu.memory_space<vmem>>[vector<16xi32>], vector<16xf32>,
      %parallel_loop3A_1081 = arith.subf %parallel_loop3A_1076, %parallel_loop3A_1080 : vector<16xf32>
      %parallel_loop3A_1082 = arith.mulf %parallel_loop3A_1081, %parallel_loop3A_1081 : vector<16xf32>
      %parallel_loop3A_1083 = arith.addf %parallel_loop3A_1072, %parallel_loop3A_1082 : vector<16xf32>
      %parallel_loop3A_1084 = arith.constant 26 : i32
      %parallel_loop3A_1085 = vector.broadcast %parallel_loop3A_1084 : i32 to vector<16xi32>
      %parallel_loop3A_1086 = arith.addi %parallel_loop3A_803, %parallel_loop3A_1085 : vector<16xi32>
      %parallel_loop3A_1087 = tpu.vector_load_idx %arg8[%parallel_loop3A_1086] : memref<5880xf32, #tpu.memory_space<vmem>>[vector<16xi32>], vector<16xf32>,
      %parallel_loop3A_1088 = arith.constant 26 : i32
      %parallel_loop3A_1089 = vector.broadcast %parallel_loop3A_1088 : i32 to vector<16xi32>
      %parallel_loop3A_1090 = arith.addi %parallel_loop3A_803, %parallel_loop3A_1089 : vector<16xi32>
      %parallel_loop3A_1091 = tpu.vector_load_idx %arg9[%parallel_loop3A_1090] : memref<5880xf32, #tpu.memory_space<vmem>>[vector<16xi32>], vector<16xf32>,
      %parallel_loop3A_1092 = arith.subf %parallel_loop3A_1087, %parallel_loop3A_1091 : vector<16xf32>
      %parallel_loop3A_1093 = arith.mulf %parallel_loop3A_1092, %parallel_loop3A_1092 : vector<16xf32>
      %parallel_loop3A_1094 = arith.addf %parallel_loop3A_1083, %parallel_loop3A_1093 : vector<16xf32>
      %parallel_loop3A_1095 = arith.constant 27 : i32
      %parallel_loop3A_1096 = vector.broadcast %parallel_loop3A_1095 : i32 to vector<16xi32>
      %parallel_loop3A_1097 = arith.addi %parallel_loop3A_803, %parallel_loop3A_1096 : vector<16xi32>
      %parallel_loop3A_1098 = tpu.vector_load_idx %arg8[%parallel_loop3A_1097] : memref<5880xf32, #tpu.memory_space<vmem>>[vector<16xi32>], vector<16xf32>,
      %parallel_loop3A_1099 = arith.constant 27 : i32
      %parallel_loop3A_1100 = vector.broadcast %parallel_loop3A_1099 : i32 to vector<16xi32>
      %parallel_loop3A_1101 = arith.addi %parallel_loop3A_803, %parallel_loop3A_1100 : vector<16xi32>
      %parallel_loop3A_1102 = tpu.vector_load_idx %arg9[%parallel_loop3A_1101] : memref<5880xf32, #tpu.memory_space<vmem>>[vector<16xi32>], vector<16xf32>,
      %parallel_loop3A_1103 = arith.subf %parallel_loop3A_1098, %parallel_loop3A_1102 : vector<16xf32>
      %parallel_loop3A_1104 = arith.mulf %parallel_loop3A_1103, %parallel_loop3A_1103 : vector<16xf32>
      %parallel_loop3A_1105 = arith.addf %parallel_loop3A_1094, %parallel_loop3A_1104 : vector<16xf32>
      %parallel_loop3A_1106 = arith.constant 28 : i32
      %parallel_loop3A_1107 = vector.broadcast %parallel_loop3A_1106 : i32 to vector<16xi32>
      %parallel_loop3A_1108 = arith.addi %parallel_loop3A_803, %parallel_loop3A_1107 : vector<16xi32>
      %parallel_loop3A_1109 = tpu.vector_load_idx %arg8[%parallel_loop3A_1108] : memref<5880xf32, #tpu.memory_space<vmem>>[vector<16xi32>], vector<16xf32>,
      %parallel_loop3A_1110 = arith.constant 28 : i32
      %parallel_loop3A_1111 = vector.broadcast %parallel_loop3A_1110 : i32 to vector<16xi32>
      %parallel_loop3A_1112 = arith.addi %parallel_loop3A_803, %parallel_loop3A_1111 : vector<16xi32>
      %parallel_loop3A_1113 = tpu.vector_load_idx %arg9[%parallel_loop3A_1112] : memref<5880xf32, #tpu.memory_space<vmem>>[vector<16xi32>], vector<16xf32>,
      %parallel_loop3A_1114 = arith.subf %parallel_loop3A_1109, %parallel_loop3A_1113 : vector<16xf32>
      %parallel_loop3A_1115 = arith.mulf %parallel_loop3A_1114, %parallel_loop3A_1114 : vector<16xf32>
      %parallel_loop3A_1116 = arith.addf %parallel_loop3A_1105, %parallel_loop3A_1115 : vector<16xf32>
      %parallel_loop3A_1117 = arith.constant 29 : i32
      %parallel_loop3A_1118 = vector.broadcast %parallel_loop3A_1117 : i32 to vector<16xi32>
      %parallel_loop3A_1119 = arith.addi %parallel_loop3A_803, %parallel_loop3A_1118 : vector<16xi32>
      %parallel_loop3A_1120 = tpu.vector_load_idx %arg8[%parallel_loop3A_1119] : memref<5880xf32, #tpu.memory_space<vmem>>[vector<16xi32>], vector<16xf32>,
      %parallel_loop3A_1121 = arith.constant 29 : i32
      %parallel_loop3A_1122 = vector.broadcast %parallel_loop3A_1121 : i32 to vector<16xi32>
      %parallel_loop3A_1123 = arith.addi %parallel_loop3A_803, %parallel_loop3A_1122 : vector<16xi32>
      %parallel_loop3A_1124 = tpu.vector_load_idx %arg9[%parallel_loop3A_1123] : memref<5880xf32, #tpu.memory_space<vmem>>[vector<16xi32>], vector<16xf32>,
      %parallel_loop3A_1125 = arith.subf %parallel_loop3A_1120, %parallel_loop3A_1124 : vector<16xf32>
      %parallel_loop3A_1126 = arith.mulf %parallel_loop3A_1125, %parallel_loop3A_1125 : vector<16xf32>
      %parallel_loop3A_1127 = arith.addf %parallel_loop3A_1116, %parallel_loop3A_1126 : vector<16xf32>
      %parallel_loop3A_1128 = arith.constant 196 : i32
      %parallel_loop3A_1129 = arith.muli %arg1, %parallel_loop3A_1128 : i32
      %parallel_loop3A_1130 = vector.broadcast %parallel_loop3A_1129 : i32 to vector<16xi32>
      %parallel_loop3A_1131 = arith.addi %parallel_loop3A_1130, %parallel_loop3A_800 : vector<16xi32>
      %parallel_loop3A_1132 = arith.constant 32 : i32
      %parallel_loop3A_1133 = vector.broadcast %parallel_loop3A_1132 : i32 to vector<16xi32>
      %parallel_loop3A_1134 = arith.divsi %parallel_loop3A_1131, %parallel_loop3A_1133 : vector<16xi32>
      %parallel_loop3A_1135 = tpu.vector_load_idx %arg10[%parallel_loop3A_1134] : memref<112xi32, #tpu.memory_space<vmem>>[vector<16xi32>], vector<16xi32>,
      %parallel_loop3A_1136 = arith.constant 32 : i32
      %parallel_loop3A_1137 = vector.broadcast %parallel_loop3A_1136 : i32 to vector<16xi32>
      %parallel_loop3A_1138 = arith.remsi %parallel_loop3A_1131, %parallel_loop3A_1137 : vector<16xi32>
      %parallel_loop3A_1139 = arith.shrui %parallel_loop3A_1135, %parallel_loop3A_1138 : vector<16xi32>
      %parallel_loop3A_1140 = arith.constant 1 : i32
      %parallel_loop3A_1141 = vector.broadcast %parallel_loop3A_1140 : i32 to vector<16xi32>
      %parallel_loop3A_1142 = arith.andi %parallel_loop3A_1139, %parallel_loop3A_1141 : vector<16xi32>
      %parallel_loop3A_1143 = arith.constant 0 : i32
      %parallel_loop3A_1144 = vector.broadcast %parallel_loop3A_1143 : i32 to vector<16xi32>
      %parallel_loop3A_1145 = arith.cmpi sgt, %parallel_loop3A_1142, %parallel_loop3A_1144 : vector<16xi32>
      %parallel_loop3A_1146 = arith.constant 0.000000e+00 : f32
      %parallel_loop3A_1147 = vector.broadcast %parallel_loop3A_1146 : f32 to vector<16xf32>
      %parallel_loop3A_1148 = arith.cmpf ogt, %parallel_loop3A_855, %parallel_loop3A_1147 : vector<16xf32>
      %parallel_loop3A_1149 = arith.constant dense<true> : vector<16xi1>
      %parallel_loop3A_1150 = arith.xori %parallel_loop3A_1145, %parallel_loop3A_1149 : vector<16xi1>
      %parallel_loop3A_1151 = arith.andi %parallel_loop3A_1148, %parallel_loop3A_1150 : vector<16xi1>
      %parallel_loop3A_1152 = arith.constant 0.000000e+00 : f32
      %parallel_loop3A_1153 = vector.broadcast %parallel_loop3A_1152 : f32 to vector<16xf32>
      %parallel_loop3A_1154 = arith.select %parallel_loop3A_1151, %parallel_loop3A_1153, %parallel_loop3A_855 : vector<16xi1>, vector<16xf32>
      %parallel_loop3A_1155 = arith.andi %parallel_loop3A_1148, %parallel_loop3A_1145 : vector<16xi1>
      %parallel_loop3A_1156 = arith.constant 0.000000e+00 : f32
      %parallel_loop3A_1157 = vector.broadcast %parallel_loop3A_1156 : f32 to vector<16xf32>
      %parallel_loop3A_1158 = arith.select %parallel_loop3A_1155, %parallel_loop3A_1157, %parallel_loop3A_907 : vector<16xi1>, vector<16xf32>
      %parallel_loop3A_1159 = arith.constant 0.000000e+00 : f32
      %parallel_loop3A_1160 = vector.broadcast %parallel_loop3A_1159 : f32 to vector<16xf32>
      %parallel_loop3A_1161 = arith.cmpf ogt, %parallel_loop3A_1154, %parallel_loop3A_1160 : vector<16xf32>
      %parallel_loop3A_1162 = arith.andi %parallel_loop3A_1161, %parallel_loop3A_797 : vector<16xi1>
      %parallel_loop3A_1163 = arith.constant 1.000000e+00 : f32
      %parallel_loop3A_1164 = arith.constant 0.000000e+00 : f32
      %parallel_loop3A_1165 = vector.broadcast %parallel_loop3A_1163 : f32 to vector<16xf32>
      %parallel_loop3A_1166 = vector.broadcast %parallel_loop3A_1164 : f32 to vector<16xf32>
      %parallel_loop3A_1167 = arith.select %parallel_loop3A_1162, %parallel_loop3A_1165, %parallel_loop3A_1166 : vector<16xi1>, vector<16xf32>
      %parallel_loop3A_1168 = arith.constant 0.000000e+00 : f32
      %parallel_loop3A_1169 = vector.broadcast %parallel_loop3A_1168 : f32 to vector<16xf32>
      %parallel_loop3A_1170 = arith.cmpf ogt, %parallel_loop3A_1158, %parallel_loop3A_1169 : vector<16xf32>
      %parallel_loop3A_1171 = arith.andi %parallel_loop3A_1170, %parallel_loop3A_797 : vector<16xi1>
      %parallel_loop3A_1172 = arith.constant 1.000000e+00 : f32
      %parallel_loop3A_1173 = arith.constant 0.000000e+00 : f32
      %parallel_loop3A_1174 = vector.broadcast %parallel_loop3A_1172 : f32 to vector<16xf32>
      %parallel_loop3A_1175 = vector.broadcast %parallel_loop3A_1173 : f32 to vector<16xf32>
      %parallel_loop3A_1176 = arith.select %parallel_loop3A_1171, %parallel_loop3A_1174, %parallel_loop3A_1175 : vector<16xi1>, vector<16xf32>
      %parallel_loop3A_1177 = arith.constant 0.000000e+00 : f32
      %parallel_loop3A_1178 = vector.broadcast %parallel_loop3A_1177 : f32 to vector<16xf32>
      %parallel_loop3A_1179 = arith.cmpf oeq, %parallel_loop3A_1154, %parallel_loop3A_1178 : vector<16xf32>
      %parallel_loop3A_1180 = arith.constant 0.000000e+00 : f32
      %parallel_loop3A_1181 = vector.broadcast %parallel_loop3A_1180 : f32 to vector<16xf32>
      %parallel_loop3A_1182 = arith.cmpf oeq, %parallel_loop3A_1158, %parallel_loop3A_1181 : vector<16xf32>
      %parallel_loop3A_1183 = arith.andi %parallel_loop3A_1179, %parallel_loop3A_1182 : vector<16xi1>
      %parallel_loop3A_1184 = arith.andi %parallel_loop3A_1183, %parallel_loop3A_797 : vector<16xi1>
      %parallel_loop3A_1185 = arith.constant 1.000000e+00 : f32
      %parallel_loop3A_1186 = arith.constant 0.000000e+00 : f32
      %parallel_loop3A_1187 = vector.broadcast %parallel_loop3A_1185 : f32 to vector<16xf32>
      %parallel_loop3A_1188 = vector.broadcast %parallel_loop3A_1186 : f32 to vector<16xf32>
      %parallel_loop3A_1189 = arith.select %parallel_loop3A_1184, %parallel_loop3A_1187, %parallel_loop3A_1188 : vector<16xi1>, vector<16xf32>
      %parallel_loop3A_1190 = arith.subf %parallel_loop3A_851, %parallel_loop3A_1154 : vector<16xf32>
      %parallel_loop3A_1191 = arith.subf %parallel_loop3A_851, %parallel_loop3A_1154 : vector<16xf32>
      %parallel_loop3A_1192 = arith.mulf %parallel_loop3A_1190, %parallel_loop3A_1191 : vector<16xf32>
      %parallel_loop3A_1193 = arith.subf %parallel_loop3A_903, %parallel_loop3A_1158 : vector<16xf32>
      %parallel_loop3A_1194 = arith.subf %parallel_loop3A_903, %parallel_loop3A_1158 : vector<16xf32>
      %parallel_loop3A_1195 = arith.mulf %parallel_loop3A_1193, %parallel_loop3A_1194 : vector<16xf32>
      %parallel_loop3A_1196 = arith.addf %parallel_loop3A_780, %parallel_loop3A_1167 : vector<16xf32>
      %parallel_loop3A_1197 = arith.addf %parallel_loop3A_781, %parallel_loop3A_1176 : vector<16xf32>
      %parallel_loop3A_1198 = arith.addf %parallel_loop3A_782, %parallel_loop3A_1189 : vector<16xf32>
      %parallel_loop3A_1199 = arith.mulf %parallel_loop3A_1167, %parallel_loop3A_847 : vector<16xf32>
      %parallel_loop3A_1200 = arith.addf %parallel_loop3A_783, %parallel_loop3A_1199 : vector<16xf32>
      %parallel_loop3A_1201 = arith.mulf %parallel_loop3A_1176, %parallel_loop3A_899 : vector<16xf32>
      %parallel_loop3A_1202 = arith.addf %parallel_loop3A_784, %parallel_loop3A_1201 : vector<16xf32>
      %parallel_loop3A_1203 = arith.mulf %parallel_loop3A_1167, %parallel_loop3A_1192 : vector<16xf32>
      %parallel_loop3A_1204 = arith.addf %parallel_loop3A_785, %parallel_loop3A_1203 : vector<16xf32>
      %parallel_loop3A_1205 = arith.mulf %parallel_loop3A_1176, %parallel_loop3A_1195 : vector<16xf32>
      %parallel_loop3A_1206 = arith.addf %parallel_loop3A_786, %parallel_loop3A_1205 : vector<16xf32>
      %parallel_loop3A_1207 = arith.mulf %parallel_loop3A_1167, %parallel_loop3A_1127 : vector<16xf32>
      %parallel_loop3A_1208 = arith.addf %parallel_loop3A_787, %parallel_loop3A_1207 : vector<16xf32>
      %parallel_loop3A_1209 = arith.mulf %parallel_loop3A_1176, %parallel_loop3A_1127 : vector<16xf32>
      %parallel_loop3A_1210 = arith.addf %parallel_loop3A_788, %parallel_loop3A_1209 : vector<16xf32>
      %parallel_loop3A_1211 = arith.mulf %parallel_loop3A_1189, %parallel_loop3A_1192 : vector<16xf32>
      %parallel_loop3A_1212 = arith.addf %parallel_loop3A_789, %parallel_loop3A_1211 : vector<16xf32>
      %parallel_loop3A_1213 = arith.mulf %parallel_loop3A_1189, %parallel_loop3A_1195 : vector<16xf32>
      %parallel_loop3A_1214 = arith.addf %parallel_loop3A_790, %parallel_loop3A_1213 : vector<16xf32>
      scf.yield %parallel_loop3A_1196, %parallel_loop3A_1197, %parallel_loop3A_1198, %parallel_loop3A_1200, %parallel_loop3A_1202, %parallel_loop3A_1204, %parallel_loop3A_1206, %parallel_loop3A_1208, %parallel_loop3A_1210, %parallel_loop3A_1212, %parallel_loop3A_1214 : vector<16xf32>, vector<16xf32>, vector<16xf32>, vector<16xf32>, vector<16xf32>, vector<16xf32>, vector<16xf32>, vector<16xf32>, vector<16xf32>, vector<16xf32>, vector<16xf32>
    } {sc.loop_unroll_factor = 2 : i64, sc.parallel_access}
    %eq3A_674 = arith.constant 0 : i32
    %eq3A_675 = vector.broadcast %eq3A_674 : i32 to vector<16xi32>
    %eq3A_676 = arith.cmpi eq, %iota3A, %eq3A_675 : vector<16xi32>
    %reduce_sum3A = arith.constant true
    %reduce_sum3A_677 = vector.broadcast %reduce_sum3A : i1 to vector<16xi1>
    %reduce_sum3A_678 = tpu.scan <sum>, %parallel_loop3A_673#0 masked %reduce_sum3A_677 : vector<16xf32>, vector<16xi1> -> vector<16xf32>
    %reduce_sum3A_679 = vector.extract %reduce_sum3A_678[15] : f32 from vector<16xf32>
    %broadcast_in_dim3A_680 = vector.broadcast %reduce_sum3A_679 : f32 to vector<16xf32>
    %select_n3A_681 = arith.select %eq3A_676, %broadcast_in_dim3A_680, %broadcast_in_dim3A_6 : vector<16xi1>, vector<16xf32>
    %eq3A_682 = arith.constant 1 : i32
    %eq3A_683 = vector.broadcast %eq3A_682 : i32 to vector<16xi32>
    %eq3A_684 = arith.cmpi eq, %iota3A, %eq3A_683 : vector<16xi32>
    %reduce_sum3A_685 = arith.constant true
    %reduce_sum3A_686 = vector.broadcast %reduce_sum3A_685 : i1 to vector<16xi1>
    %reduce_sum3A_687 = tpu.scan <sum>, %parallel_loop3A_673#1 masked %reduce_sum3A_686 : vector<16xf32>, vector<16xi1> -> vector<16xf32>
    %reduce_sum3A_688 = vector.extract %reduce_sum3A_687[15] : f32 from vector<16xf32>
    %broadcast_in_dim3A_689 = vector.broadcast %reduce_sum3A_688 : f32 to vector<16xf32>
    %select_n3A_690 = arith.select %eq3A_684, %broadcast_in_dim3A_689, %select_n3A_681 : vector<16xi1>, vector<16xf32>
    %eq3A_691 = arith.constant 2 : i32
    %eq3A_692 = vector.broadcast %eq3A_691 : i32 to vector<16xi32>
    %eq3A_693 = arith.cmpi eq, %iota3A, %eq3A_692 : vector<16xi32>
    %reduce_sum3A_694 = arith.constant true
    %reduce_sum3A_695 = vector.broadcast %reduce_sum3A_694 : i1 to vector<16xi1>
    %reduce_sum3A_696 = tpu.scan <sum>, %parallel_loop3A_673#2 masked %reduce_sum3A_695 : vector<16xf32>, vector<16xi1> -> vector<16xf32>
    %reduce_sum3A_697 = vector.extract %reduce_sum3A_696[15] : f32 from vector<16xf32>
    %broadcast_in_dim3A_698 = vector.broadcast %reduce_sum3A_697 : f32 to vector<16xf32>
    %select_n3A_699 = arith.select %eq3A_693, %broadcast_in_dim3A_698, %select_n3A_690 : vector<16xi1>, vector<16xf32>
    %eq3A_700 = arith.constant 3 : i32
    %eq3A_701 = vector.broadcast %eq3A_700 : i32 to vector<16xi32>
    %eq3A_702 = arith.cmpi eq, %iota3A, %eq3A_701 : vector<16xi32>
    %reduce_sum3A_703 = arith.constant true
    %reduce_sum3A_704 = vector.broadcast %reduce_sum3A_703 : i1 to vector<16xi1>
    %reduce_sum3A_705 = tpu.scan <sum>, %parallel_loop3A_673#3 masked %reduce_sum3A_704 : vector<16xf32>, vector<16xi1> -> vector<16xf32>
    %reduce_sum3A_706 = vector.extract %reduce_sum3A_705[15] : f32 from vector<16xf32>
    %broadcast_in_dim3A_707 = vector.broadcast %reduce_sum3A_706 : f32 to vector<16xf32>
    %select_n3A_708 = arith.select %eq3A_702, %broadcast_in_dim3A_707, %select_n3A_699 : vector<16xi1>, vector<16xf32>
    %eq3A_709 = arith.constant 4 : i32
    %eq3A_710 = vector.broadcast %eq3A_709 : i32 to vector<16xi32>
    %eq3A_711 = arith.cmpi eq, %iota3A, %eq3A_710 : vector<16xi32>
    %reduce_sum3A_712 = arith.constant true
    %reduce_sum3A_713 = vector.broadcast %reduce_sum3A_712 : i1 to vector<16xi1>
    %reduce_sum3A_714 = tpu.scan <sum>, %parallel_loop3A_673#4 masked %reduce_sum3A_713 : vector<16xf32>, vector<16xi1> -> vector<16xf32>
    %reduce_sum3A_715 = vector.extract %reduce_sum3A_714[15] : f32 from vector<16xf32>
    %broadcast_in_dim3A_716 = vector.broadcast %reduce_sum3A_715 : f32 to vector<16xf32>
    %select_n3A_717 = arith.select %eq3A_711, %broadcast_in_dim3A_716, %select_n3A_708 : vector<16xi1>, vector<16xf32>
    %eq3A_718 = arith.constant 5 : i32
    %eq3A_719 = vector.broadcast %eq3A_718 : i32 to vector<16xi32>
    %eq3A_720 = arith.cmpi eq, %iota3A, %eq3A_719 : vector<16xi32>
    %reduce_sum3A_721 = arith.constant true
    %reduce_sum3A_722 = vector.broadcast %reduce_sum3A_721 : i1 to vector<16xi1>
    %reduce_sum3A_723 = tpu.scan <sum>, %parallel_loop3A_673#5 masked %reduce_sum3A_722 : vector<16xf32>, vector<16xi1> -> vector<16xf32>
    %reduce_sum3A_724 = vector.extract %reduce_sum3A_723[15] : f32 from vector<16xf32>
    %broadcast_in_dim3A_725 = vector.broadcast %reduce_sum3A_724 : f32 to vector<16xf32>
    %select_n3A_726 = arith.select %eq3A_720, %broadcast_in_dim3A_725, %select_n3A_717 : vector<16xi1>, vector<16xf32>
    %eq3A_727 = arith.constant 6 : i32
    %eq3A_728 = vector.broadcast %eq3A_727 : i32 to vector<16xi32>
    %eq3A_729 = arith.cmpi eq, %iota3A, %eq3A_728 : vector<16xi32>
    %reduce_sum3A_730 = arith.constant true
    %reduce_sum3A_731 = vector.broadcast %reduce_sum3A_730 : i1 to vector<16xi1>
    %reduce_sum3A_732 = tpu.scan <sum>, %parallel_loop3A_673#6 masked %reduce_sum3A_731 : vector<16xf32>, vector<16xi1> -> vector<16xf32>
    %reduce_sum3A_733 = vector.extract %reduce_sum3A_732[15] : f32 from vector<16xf32>
    %broadcast_in_dim3A_734 = vector.broadcast %reduce_sum3A_733 : f32 to vector<16xf32>
    %select_n3A_735 = arith.select %eq3A_729, %broadcast_in_dim3A_734, %select_n3A_726 : vector<16xi1>, vector<16xf32>
    %eq3A_736 = arith.constant 7 : i32
    %eq3A_737 = vector.broadcast %eq3A_736 : i32 to vector<16xi32>
    %eq3A_738 = arith.cmpi eq, %iota3A, %eq3A_737 : vector<16xi32>
    %reduce_sum3A_739 = arith.constant true
    %reduce_sum3A_740 = vector.broadcast %reduce_sum3A_739 : i1 to vector<16xi1>
    %reduce_sum3A_741 = tpu.scan <sum>, %parallel_loop3A_673#7 masked %reduce_sum3A_740 : vector<16xf32>, vector<16xi1> -> vector<16xf32>
    %reduce_sum3A_742 = vector.extract %reduce_sum3A_741[15] : f32 from vector<16xf32>
    %broadcast_in_dim3A_743 = vector.broadcast %reduce_sum3A_742 : f32 to vector<16xf32>
    %select_n3A_744 = arith.select %eq3A_738, %broadcast_in_dim3A_743, %select_n3A_735 : vector<16xi1>, vector<16xf32>
    %eq3A_745 = arith.constant 8 : i32
    %eq3A_746 = vector.broadcast %eq3A_745 : i32 to vector<16xi32>
    %eq3A_747 = arith.cmpi eq, %iota3A, %eq3A_746 : vector<16xi32>
    %reduce_sum3A_748 = arith.constant true
    %reduce_sum3A_749 = vector.broadcast %reduce_sum3A_748 : i1 to vector<16xi1>
    %reduce_sum3A_750 = tpu.scan <sum>, %parallel_loop3A_673#8 masked %reduce_sum3A_749 : vector<16xf32>, vector<16xi1> -> vector<16xf32>
    %reduce_sum3A_751 = vector.extract %reduce_sum3A_750[15] : f32 from vector<16xf32>
    %broadcast_in_dim3A_752 = vector.broadcast %reduce_sum3A_751 : f32 to vector<16xf32>
    %select_n3A_753 = arith.select %eq3A_747, %broadcast_in_dim3A_752, %select_n3A_744 : vector<16xi1>, vector<16xf32>
    %eq3A_754 = arith.constant 9 : i32
    %eq3A_755 = vector.broadcast %eq3A_754 : i32 to vector<16xi32>
    %eq3A_756 = arith.cmpi eq, %iota3A, %eq3A_755 : vector<16xi32>
    %reduce_sum3A_757 = arith.constant true
    %reduce_sum3A_758 = vector.broadcast %reduce_sum3A_757 : i1 to vector<16xi1>
    %reduce_sum3A_759 = tpu.scan <sum>, %parallel_loop3A_673#9 masked %reduce_sum3A_758 : vector<16xf32>, vector<16xi1> -> vector<16xf32>
    %reduce_sum3A_760 = vector.extract %reduce_sum3A_759[15] : f32 from vector<16xf32>
    %broadcast_in_dim3A_761 = vector.broadcast %reduce_sum3A_760 : f32 to vector<16xf32>
    %select_n3A_762 = arith.select %eq3A_756, %broadcast_in_dim3A_761, %select_n3A_753 : vector<16xi1>, vector<16xf32>
    %eq3A_763 = arith.constant 10 : i32
    %eq3A_764 = vector.broadcast %eq3A_763 : i32 to vector<16xi32>
    %eq3A_765 = arith.cmpi eq, %iota3A, %eq3A_764 : vector<16xi32>
    %reduce_sum3A_766 = arith.constant true
    %reduce_sum3A_767 = vector.broadcast %reduce_sum3A_766 : i1 to vector<16xi1>
    %reduce_sum3A_768 = tpu.scan <sum>, %parallel_loop3A_673#10 masked %reduce_sum3A_767 : vector<16xf32>, vector<16xi1> -> vector<16xf32>
    %reduce_sum3A_769 = vector.extract %reduce_sum3A_768[15] : f32 from vector<16xf32>
    %broadcast_in_dim3A_770 = vector.broadcast %reduce_sum3A_769 : f32 to vector<16xf32>
    %select_n3A_771 = arith.select %eq3A_765, %broadcast_in_dim3A_770, %select_n3A_762 : vector<16xi1>, vector<16xf32>
    tpu.vector_store_idx %arg11[%iota3A], %select_n3A_771 : memref<16xf32, #tpu.memory_space<vmem>>[vector<16xi32>], vector<16xf32>,
    %mul3A_772 = arith.constant 16 : i32
    %mul3A_773 = arith.muli %arg1, %mul3A_772 : i32
    "tpu.region"() ({
      %run_scoped3A = tpu.sem_alloc : memref<!tpu.dma_semaphore, #tpu.memory_space<semaphore_mem>>
      %dma_start3A_779 = tpu.memref_slice %arg12[%mul3A_773] : memref<256xf32, #tpu.memory_space<vmem_shared>> -> memref<16xf32, #tpu.memory_space<vmem_shared>>
      %dma_start3A_780 = tpu.memref_slice %arg12[%mul3A_773] : memref<256xf32, #tpu.memory_space<vmem_shared>> -> memref<16xf32, #tpu.memory_space<vmem_shared>>
      tpu.enqueue_dma source(%arg11 : memref<16xf32, #tpu.memory_space<vmem>>) target(%dma_start3A_780 : memref<16xf32, #tpu.memory_space<vmem_shared>>) target_semaphore(%run_scoped3A : memref<!tpu.dma_semaphore, #tpu.memory_space<semaphore_mem>>)
      %dma_wait3A_781 = tpu.memref_slice %arg12[%mul3A_773] : memref<256xf32, #tpu.memory_space<vmem_shared>> -> memref<16xf32, #tpu.memory_space<vmem_shared>>
      %dma_wait3A_782 = tpu.memref_slice %arg12[%mul3A_773] : memref<256xf32, #tpu.memory_space<vmem_shared>> -> memref<16xf32, #tpu.memory_space<vmem_shared>>
      tpu.wait_dma2 semaphore(%run_scoped3A : memref<!tpu.dma_semaphore, #tpu.memory_space<semaphore_mem>>) src(%arg11 : memref<16xf32, #tpu.memory_space<vmem>>) dst(%dma_wait3A_782 : memref<16xf32, #tpu.memory_space<vmem_shared>>)
      tpu.yield
    }) : () -> ()
    %barrier3A = arith.constant 0 : index
    tpu.barrier barrier_id(%barrier3A)
    %eq3A_774 = arith.constant 0 : i32
    %eq3A_775 = arith.cmpi eq, %arg0, %eq3A_774 : i32
    %eq3A_776 = arith.constant 0 : i32
    %eq3A_777 = arith.cmpi eq, %arg1, %eq3A_776 : i32
    %and3A = arith.andi %eq3A_775, %eq3A_777 : i1
    %convert_element_type3A = arith.extui %and3A : i1 to i32
    %cond3A = arith.constant 0 : i32
    %cond3A_778 = arith.cmpi ne, %convert_element_type3A, %cond3A : i32
    scf.if %cond3A_778 {
      "tpu.region"() ({
        %run_scoped3A = tpu.sem_alloc : memref<!tpu.dma_semaphore, #tpu.memory_space<semaphore_mem>>
        tpu.enqueue_dma source(%arg12 : memref<256xf32, #tpu.memory_space<vmem_shared>>) target(%arg13 : memref<256xf32, #tpu.memory_space<vmem>>) target_semaphore(%run_scoped3A : memref<!tpu.dma_semaphore, #tpu.memory_space<semaphore_mem>>)
        tpu.wait_dma2 semaphore(%run_scoped3A : memref<!tpu.dma_semaphore, #tpu.memory_space<semaphore_mem>>) src(%arg12 : memref<256xf32, #tpu.memory_space<vmem_shared>>) dst(%arg13 : memref<256xf32, #tpu.memory_space<vmem>>)
        tpu.yield
      }) : () -> ()
      %add3A_779 = arith.constant 0 : i32
      %add3A_780 = vector.broadcast %add3A_779 : i32 to vector<16xi32>
      %add3A_781 = arith.addi %iota3A, %add3A_780 : vector<16xi32>
      %gather3A = tpu.vector_load_idx %arg13[%add3A_781] : memref<256xf32, #tpu.memory_space<vmem>>[vector<16xi32>], vector<16xf32>,
      %add3A_782 = arith.addf %broadcast_in_dim3A_6, %gather3A : vector<16xf32>
      %add3A_783 = arith.constant 16 : i32
      %add3A_784 = vector.broadcast %add3A_783 : i32 to vector<16xi32>
      %add3A_785 = arith.addi %iota3A, %add3A_784 : vector<16xi32>
      %gather3A_786 = tpu.vector_load_idx %arg13[%add3A_785] : memref<256xf32, #tpu.memory_space<vmem>>[vector<16xi32>], vector<16xf32>,
      %add3A_787 = arith.addf %add3A_782, %gather3A_786 : vector<16xf32>
      %add3A_788 = arith.constant 32 : i32
      %add3A_789 = vector.broadcast %add3A_788 : i32 to vector<16xi32>
      %add3A_790 = arith.addi %iota3A, %add3A_789 : vector<16xi32>
      %gather3A_791 = tpu.vector_load_idx %arg13[%add3A_790] : memref<256xf32, #tpu.memory_space<vmem>>[vector<16xi32>], vector<16xf32>,
      %add3A_792 = arith.addf %add3A_787, %gather3A_791 : vector<16xf32>
      %add3A_793 = arith.constant 48 : i32
      %add3A_794 = vector.broadcast %add3A_793 : i32 to vector<16xi32>
      %add3A_795 = arith.addi %iota3A, %add3A_794 : vector<16xi32>
      %gather3A_796 = tpu.vector_load_idx %arg13[%add3A_795] : memref<256xf32, #tpu.memory_space<vmem>>[vector<16xi32>], vector<16xf32>,
      %add3A_797 = arith.addf %add3A_792, %gather3A_796 : vector<16xf32>
      %add3A_798 = arith.constant 64 : i32
      %add3A_799 = vector.broadcast %add3A_798 : i32 to vector<16xi32>
      %add3A_800 = arith.addi %iota3A, %add3A_799 : vector<16xi32>
      %gather3A_801 = tpu.vector_load_idx %arg13[%add3A_800] : memref<256xf32, #tpu.memory_space<vmem>>[vector<16xi32>], vector<16xf32>,
      %add3A_802 = arith.addf %add3A_797, %gather3A_801 : vector<16xf32>
      %add3A_803 = arith.constant 80 : i32
      %add3A_804 = vector.broadcast %add3A_803 : i32 to vector<16xi32>
      %add3A_805 = arith.addi %iota3A, %add3A_804 : vector<16xi32>
      %gather3A_806 = tpu.vector_load_idx %arg13[%add3A_805] : memref<256xf32, #tpu.memory_space<vmem>>[vector<16xi32>], vector<16xf32>,
      %add3A_807 = arith.addf %add3A_802, %gather3A_806 : vector<16xf32>
      %add3A_808 = arith.constant 96 : i32
      %add3A_809 = vector.broadcast %add3A_808 : i32 to vector<16xi32>
      %add3A_810 = arith.addi %iota3A, %add3A_809 : vector<16xi32>
      %gather3A_811 = tpu.vector_load_idx %arg13[%add3A_810] : memref<256xf32, #tpu.memory_space<vmem>>[vector<16xi32>], vector<16xf32>,
      %add3A_812 = arith.addf %add3A_807, %gather3A_811 : vector<16xf32>
      %add3A_813 = arith.constant 112 : i32
      %add3A_814 = vector.broadcast %add3A_813 : i32 to vector<16xi32>
      %add3A_815 = arith.addi %iota3A, %add3A_814 : vector<16xi32>
      %gather3A_816 = tpu.vector_load_idx %arg13[%add3A_815] : memref<256xf32, #tpu.memory_space<vmem>>[vector<16xi32>], vector<16xf32>,
      %add3A_817 = arith.addf %add3A_812, %gather3A_816 : vector<16xf32>
      %add3A_818 = arith.constant 128 : i32
      %add3A_819 = vector.broadcast %add3A_818 : i32 to vector<16xi32>
      %add3A_820 = arith.addi %iota3A, %add3A_819 : vector<16xi32>
      %gather3A_821 = tpu.vector_load_idx %arg13[%add3A_820] : memref<256xf32, #tpu.memory_space<vmem>>[vector<16xi32>], vector<16xf32>,
      %add3A_822 = arith.addf %add3A_817, %gather3A_821 : vector<16xf32>
      %add3A_823 = arith.constant 144 : i32
      %add3A_824 = vector.broadcast %add3A_823 : i32 to vector<16xi32>
      %add3A_825 = arith.addi %iota3A, %add3A_824 : vector<16xi32>
      %gather3A_826 = tpu.vector_load_idx %arg13[%add3A_825] : memref<256xf32, #tpu.memory_space<vmem>>[vector<16xi32>], vector<16xf32>,
      %add3A_827 = arith.addf %add3A_822, %gather3A_826 : vector<16xf32>
      %add3A_828 = arith.constant 160 : i32
      %add3A_829 = vector.broadcast %add3A_828 : i32 to vector<16xi32>
      %add3A_830 = arith.addi %iota3A, %add3A_829 : vector<16xi32>
      %gather3A_831 = tpu.vector_load_idx %arg13[%add3A_830] : memref<256xf32, #tpu.memory_space<vmem>>[vector<16xi32>], vector<16xf32>,
      %add3A_832 = arith.addf %add3A_827, %gather3A_831 : vector<16xf32>
      %add3A_833 = arith.constant 176 : i32
      %add3A_834 = vector.broadcast %add3A_833 : i32 to vector<16xi32>
      %add3A_835 = arith.addi %iota3A, %add3A_834 : vector<16xi32>
      %gather3A_836 = tpu.vector_load_idx %arg13[%add3A_835] : memref<256xf32, #tpu.memory_space<vmem>>[vector<16xi32>], vector<16xf32>,
      %add3A_837 = arith.addf %add3A_832, %gather3A_836 : vector<16xf32>
      %add3A_838 = arith.constant 192 : i32
      %add3A_839 = vector.broadcast %add3A_838 : i32 to vector<16xi32>
      %add3A_840 = arith.addi %iota3A, %add3A_839 : vector<16xi32>
      %gather3A_841 = tpu.vector_load_idx %arg13[%add3A_840] : memref<256xf32, #tpu.memory_space<vmem>>[vector<16xi32>], vector<16xf32>,
      %add3A_842 = arith.addf %add3A_837, %gather3A_841 : vector<16xf32>
      %add3A_843 = arith.constant 208 : i32
      %add3A_844 = vector.broadcast %add3A_843 : i32 to vector<16xi32>
      %add3A_845 = arith.addi %iota3A, %add3A_844 : vector<16xi32>
      %gather3A_846 = tpu.vector_load_idx %arg13[%add3A_845] : memref<256xf32, #tpu.memory_space<vmem>>[vector<16xi32>], vector<16xf32>,
      %add3A_847 = arith.addf %add3A_842, %gather3A_846 : vector<16xf32>
      %add3A_848 = arith.constant 224 : i32
      %add3A_849 = vector.broadcast %add3A_848 : i32 to vector<16xi32>
      %add3A_850 = arith.addi %iota3A, %add3A_849 : vector<16xi32>
      %gather3A_851 = tpu.vector_load_idx %arg13[%add3A_850] : memref<256xf32, #tpu.memory_space<vmem>>[vector<16xi32>], vector<16xf32>,
      %add3A_852 = arith.addf %add3A_847, %gather3A_851 : vector<16xf32>
      %add3A_853 = arith.constant 240 : i32
      %add3A_854 = vector.broadcast %add3A_853 : i32 to vector<16xi32>
      %add3A_855 = arith.addi %iota3A, %add3A_854 : vector<16xi32>
      %gather3A_856 = tpu.vector_load_idx %arg13[%add3A_855] : memref<256xf32, #tpu.memory_space<vmem>>[vector<16xi32>], vector<16xf32>,
      %add3A_857 = arith.addf %add3A_852, %gather3A_856 : vector<16xf32>
      %eq3A_858 = arith.constant 0 : i32
      %eq3A_859 = vector.broadcast %eq3A_858 : i32 to vector<16xi32>
      %eq3A_860 = arith.cmpi eq, %iota3A, %eq3A_859 : vector<16xi32>
      %jit3A_861 = arith.constant 0.000000e+00 : f32
      %broadcast_in_dim3A_862 = vector.broadcast %jit3A_861 : f32 to vector<16xf32>
      %select_n3A_863 = arith.select %eq3A_860, %add3A_857, %broadcast_in_dim3A_862 : vector<16xi1>, vector<16xf32>
      %reduce_sum3A_864 = arith.constant true
      %reduce_sum3A_865 = vector.broadcast %reduce_sum3A_864 : i1 to vector<16xi1>
      %reduce_sum3A_866 = tpu.scan <sum>, %select_n3A_863 masked %reduce_sum3A_865 : vector<16xf32>, vector<16xi1> -> vector<16xf32>
      %reduce_sum3A_867 = vector.extract %reduce_sum3A_866[15] : f32 from vector<16xf32>
      %eq3A_868 = arith.constant 1 : i32
      %eq3A_869 = vector.broadcast %eq3A_868 : i32 to vector<16xi32>
      %eq3A_870 = arith.cmpi eq, %iota3A, %eq3A_869 : vector<16xi32>
      %jit3A_871 = arith.constant 0.000000e+00 : f32
      %broadcast_in_dim3A_872 = vector.broadcast %jit3A_871 : f32 to vector<16xf32>
      %select_n3A_873 = arith.select %eq3A_870, %add3A_857, %broadcast_in_dim3A_872 : vector<16xi1>, vector<16xf32>
      %reduce_sum3A_874 = arith.constant true
      %reduce_sum3A_875 = vector.broadcast %reduce_sum3A_874 : i1 to vector<16xi1>
      %reduce_sum3A_876 = tpu.scan <sum>, %select_n3A_873 masked %reduce_sum3A_875 : vector<16xf32>, vector<16xi1> -> vector<16xf32>
      %reduce_sum3A_877 = vector.extract %reduce_sum3A_876[15] : f32 from vector<16xf32>
      %eq3A_878 = arith.constant 2 : i32
      %eq3A_879 = vector.broadcast %eq3A_878 : i32 to vector<16xi32>
      %eq3A_880 = arith.cmpi eq, %iota3A, %eq3A_879 : vector<16xi32>
      %jit3A_881 = arith.constant 0.000000e+00 : f32
      %broadcast_in_dim3A_882 = vector.broadcast %jit3A_881 : f32 to vector<16xf32>
      %select_n3A_883 = arith.select %eq3A_880, %add3A_857, %broadcast_in_dim3A_882 : vector<16xi1>, vector<16xf32>
      %reduce_sum3A_884 = arith.constant true
      %reduce_sum3A_885 = vector.broadcast %reduce_sum3A_884 : i1 to vector<16xi1>
      %reduce_sum3A_886 = tpu.scan <sum>, %select_n3A_883 masked %reduce_sum3A_885 : vector<16xf32>, vector<16xi1> -> vector<16xf32>
      %reduce_sum3A_887 = vector.extract %reduce_sum3A_886[15] : f32 from vector<16xf32>
      %eq3A_888 = arith.constant 3 : i32
      %eq3A_889 = vector.broadcast %eq3A_888 : i32 to vector<16xi32>
      %eq3A_890 = arith.cmpi eq, %iota3A, %eq3A_889 : vector<16xi32>
      %jit3A_891 = arith.constant 0.000000e+00 : f32
      %broadcast_in_dim3A_892 = vector.broadcast %jit3A_891 : f32 to vector<16xf32>
      %select_n3A_893 = arith.select %eq3A_890, %add3A_857, %broadcast_in_dim3A_892 : vector<16xi1>, vector<16xf32>
      %reduce_sum3A_894 = arith.constant true
      %reduce_sum3A_895 = vector.broadcast %reduce_sum3A_894 : i1 to vector<16xi1>
      %reduce_sum3A_896 = tpu.scan <sum>, %select_n3A_893 masked %reduce_sum3A_895 : vector<16xf32>, vector<16xi1> -> vector<16xf32>
      %reduce_sum3A_897 = vector.extract %reduce_sum3A_896[15] : f32 from vector<16xf32>
      %eq3A_898 = arith.constant 4 : i32
      %eq3A_899 = vector.broadcast %eq3A_898 : i32 to vector<16xi32>
      %eq3A_900 = arith.cmpi eq, %iota3A, %eq3A_899 : vector<16xi32>
      %jit3A_901 = arith.constant 0.000000e+00 : f32
      %broadcast_in_dim3A_902 = vector.broadcast %jit3A_901 : f32 to vector<16xf32>
      %select_n3A_903 = arith.select %eq3A_900, %add3A_857, %broadcast_in_dim3A_902 : vector<16xi1>, vector<16xf32>
      %reduce_sum3A_904 = arith.constant true
      %reduce_sum3A_905 = vector.broadcast %reduce_sum3A_904 : i1 to vector<16xi1>
      %reduce_sum3A_906 = tpu.scan <sum>, %select_n3A_903 masked %reduce_sum3A_905 : vector<16xf32>, vector<16xi1> -> vector<16xf32>
      %reduce_sum3A_907 = vector.extract %reduce_sum3A_906[15] : f32 from vector<16xf32>
      %eq3A_908 = arith.constant 5 : i32
      %eq3A_909 = vector.broadcast %eq3A_908 : i32 to vector<16xi32>
      %eq3A_910 = arith.cmpi eq, %iota3A, %eq3A_909 : vector<16xi32>
      %jit3A_911 = arith.constant 0.000000e+00 : f32
      %broadcast_in_dim3A_912 = vector.broadcast %jit3A_911 : f32 to vector<16xf32>
      %select_n3A_913 = arith.select %eq3A_910, %add3A_857, %broadcast_in_dim3A_912 : vector<16xi1>, vector<16xf32>
      %reduce_sum3A_914 = arith.constant true
      %reduce_sum3A_915 = vector.broadcast %reduce_sum3A_914 : i1 to vector<16xi1>
      %reduce_sum3A_916 = tpu.scan <sum>, %select_n3A_913 masked %reduce_sum3A_915 : vector<16xf32>, vector<16xi1> -> vector<16xf32>
      %reduce_sum3A_917 = vector.extract %reduce_sum3A_916[15] : f32 from vector<16xf32>
      %eq3A_918 = arith.constant 6 : i32
      %eq3A_919 = vector.broadcast %eq3A_918 : i32 to vector<16xi32>
      %eq3A_920 = arith.cmpi eq, %iota3A, %eq3A_919 : vector<16xi32>
      %jit3A_921 = arith.constant 0.000000e+00 : f32
      %broadcast_in_dim3A_922 = vector.broadcast %jit3A_921 : f32 to vector<16xf32>
      %select_n3A_923 = arith.select %eq3A_920, %add3A_857, %broadcast_in_dim3A_922 : vector<16xi1>, vector<16xf32>
      %reduce_sum3A_924 = arith.constant true
      %reduce_sum3A_925 = vector.broadcast %reduce_sum3A_924 : i1 to vector<16xi1>
      %reduce_sum3A_926 = tpu.scan <sum>, %select_n3A_923 masked %reduce_sum3A_925 : vector<16xf32>, vector<16xi1> -> vector<16xf32>
      %reduce_sum3A_927 = vector.extract %reduce_sum3A_926[15] : f32 from vector<16xf32>
      %eq3A_928 = arith.constant 7 : i32
      %eq3A_929 = vector.broadcast %eq3A_928 : i32 to vector<16xi32>
      %eq3A_930 = arith.cmpi eq, %iota3A, %eq3A_929 : vector<16xi32>
      %jit3A_931 = arith.constant 0.000000e+00 : f32
      %broadcast_in_dim3A_932 = vector.broadcast %jit3A_931 : f32 to vector<16xf32>
      %select_n3A_933 = arith.select %eq3A_930, %add3A_857, %broadcast_in_dim3A_932 : vector<16xi1>, vector<16xf32>
      %reduce_sum3A_934 = arith.constant true
      %reduce_sum3A_935 = vector.broadcast %reduce_sum3A_934 : i1 to vector<16xi1>
      %reduce_sum3A_936 = tpu.scan <sum>, %select_n3A_933 masked %reduce_sum3A_935 : vector<16xf32>, vector<16xi1> -> vector<16xf32>
      %reduce_sum3A_937 = vector.extract %reduce_sum3A_936[15] : f32 from vector<16xf32>
      %eq3A_938 = arith.constant 8 : i32
      %eq3A_939 = vector.broadcast %eq3A_938 : i32 to vector<16xi32>
      %eq3A_940 = arith.cmpi eq, %iota3A, %eq3A_939 : vector<16xi32>
      %jit3A_941 = arith.constant 0.000000e+00 : f32
      %broadcast_in_dim3A_942 = vector.broadcast %jit3A_941 : f32 to vector<16xf32>
      %select_n3A_943 = arith.select %eq3A_940, %add3A_857, %broadcast_in_dim3A_942 : vector<16xi1>, vector<16xf32>
      %reduce_sum3A_944 = arith.constant true
      %reduce_sum3A_945 = vector.broadcast %reduce_sum3A_944 : i1 to vector<16xi1>
      %reduce_sum3A_946 = tpu.scan <sum>, %select_n3A_943 masked %reduce_sum3A_945 : vector<16xf32>, vector<16xi1> -> vector<16xf32>
      %reduce_sum3A_947 = vector.extract %reduce_sum3A_946[15] : f32 from vector<16xf32>
      %eq3A_948 = arith.constant 9 : i32
      %eq3A_949 = vector.broadcast %eq3A_948 : i32 to vector<16xi32>
      %eq3A_950 = arith.cmpi eq, %iota3A, %eq3A_949 : vector<16xi32>
      %jit3A_951 = arith.constant 0.000000e+00 : f32
      %broadcast_in_dim3A_952 = vector.broadcast %jit3A_951 : f32 to vector<16xf32>
      %select_n3A_953 = arith.select %eq3A_950, %add3A_857, %broadcast_in_dim3A_952 : vector<16xi1>, vector<16xf32>
      %reduce_sum3A_954 = arith.constant true
      %reduce_sum3A_955 = vector.broadcast %reduce_sum3A_954 : i1 to vector<16xi1>
      %reduce_sum3A_956 = tpu.scan <sum>, %select_n3A_953 masked %reduce_sum3A_955 : vector<16xf32>, vector<16xi1> -> vector<16xf32>
      %reduce_sum3A_957 = vector.extract %reduce_sum3A_956[15] : f32 from vector<16xf32>
      %eq3A_958 = arith.constant 10 : i32
      %eq3A_959 = vector.broadcast %eq3A_958 : i32 to vector<16xi32>
      %eq3A_960 = arith.cmpi eq, %iota3A, %eq3A_959 : vector<16xi32>
      %jit3A_961 = arith.constant 0.000000e+00 : f32
      %broadcast_in_dim3A_962 = vector.broadcast %jit3A_961 : f32 to vector<16xf32>
      %select_n3A_963 = arith.select %eq3A_960, %add3A_857, %broadcast_in_dim3A_962 : vector<16xi1>, vector<16xf32>
      %reduce_sum3A_964 = arith.constant true
      %reduce_sum3A_965 = vector.broadcast %reduce_sum3A_964 : i1 to vector<16xi1>
      %reduce_sum3A_966 = tpu.scan <sum>, %select_n3A_963 masked %reduce_sum3A_965 : vector<16xf32>, vector<16xi1> -> vector<16xf32>
      %reduce_sum3A_967 = vector.extract %reduce_sum3A_966[15] : f32 from vector<16xf32>
      %add3A_968 = arith.addf %reduce_sum3A_957, %reduce_sum3A_967 : f32
      %broadcast_in_dim3A_969 = arith.constant 0.000000e+00 : f32
      %broadcast_in_dim3A_970 = vector.broadcast %broadcast_in_dim3A_969 : f32 to vector<16xf32>
      %eq3A_971 = arith.constant 3 : i32
      %eq3A_972 = vector.broadcast %eq3A_971 : i32 to vector<16xi32>
      %eq3A_973 = arith.cmpi eq, %iota3A, %eq3A_972 : vector<16xi32>
      %broadcast_in_dim3A_974 = vector.broadcast %add3A_968 : f32 to vector<16xf32>
      %select_n3A_975 = arith.select %eq3A_973, %broadcast_in_dim3A_974, %broadcast_in_dim3A_970 : vector<16xi1>, vector<16xf32>
      %eq3A_976 = arith.constant 2 : i32
      %eq3A_977 = vector.broadcast %eq3A_976 : i32 to vector<16xi32>
      %eq3A_978 = arith.cmpi eq, %iota3A, %eq3A_977 : vector<16xi32>
      %broadcast_in_dim3A_979 = vector.broadcast %reduce_sum3A_917 : f32 to vector<16xf32>
      %select_n3A_980 = arith.select %eq3A_978, %broadcast_in_dim3A_979, %select_n3A_975 : vector<16xi1>, vector<16xf32>
      %eq3A_981 = arith.constant 1 : i32
      %eq3A_982 = vector.broadcast %eq3A_981 : i32 to vector<16xi32>
      %eq3A_983 = arith.cmpi eq, %iota3A, %eq3A_982 : vector<16xi32>
      %broadcast_in_dim3A_984 = vector.broadcast %reduce_sum3A_937 : f32 to vector<16xf32>
      %select_n3A_985 = arith.select %eq3A_983, %broadcast_in_dim3A_984, %select_n3A_980 : vector<16xi1>, vector<16xf32>
      %eq3A_986 = arith.constant 0 : i32
      %eq3A_987 = vector.broadcast %eq3A_986 : i32 to vector<16xi32>
      %eq3A_988 = arith.cmpi eq, %iota3A, %eq3A_987 : vector<16xi32>
      %broadcast_in_dim3A_989 = vector.broadcast %reduce_sum3A_897 : f32 to vector<16xf32>
      %select_n3A_990 = arith.select %eq3A_988, %broadcast_in_dim3A_989, %select_n3A_985 : vector<16xi1>, vector<16xf32>
      %mul3A_991 = arith.constant 4.000000e+00 : f32
      %mul3A_992 = arith.mulf %mul3A_991, %reduce_sum3A_867 : f32
      %mul3A_993 = arith.constant 2.000000e+01 : f32
      %mul3A_994 = arith.mulf %mul3A_993, %reduce_sum3A_867 : f32
      %broadcast_in_dim3A_995 = arith.constant 1.000000e+00 : f32
      %broadcast_in_dim3A_996 = vector.broadcast %broadcast_in_dim3A_995 : f32 to vector<16xf32>
      %eq3A_997 = arith.constant 3 : i32
      %eq3A_998 = vector.broadcast %eq3A_997 : i32 to vector<16xi32>
      %eq3A_999 = arith.cmpi eq, %iota3A, %eq3A_998 : vector<16xi32>
      %broadcast_in_dim3A_1000 = vector.broadcast %reduce_sum3A_887 : f32 to vector<16xf32>
      %select_n3A_1001 = arith.select %eq3A_999, %broadcast_in_dim3A_1000, %broadcast_in_dim3A_996 : vector<16xi1>, vector<16xf32>
      %eq3A_1002 = arith.constant 2 : i32
      %eq3A_1003 = vector.broadcast %eq3A_1002 : i32 to vector<16xi32>
      %eq3A_1004 = arith.cmpi eq, %iota3A, %eq3A_1003 : vector<16xi32>
      %broadcast_in_dim3A_1005 = vector.broadcast %reduce_sum3A_867 : f32 to vector<16xf32>
      %select_n3A_1006 = arith.select %eq3A_1004, %broadcast_in_dim3A_1005, %select_n3A_1001 : vector<16xi1>, vector<16xf32>
      %eq3A_1007 = arith.constant 1 : i32
      %eq3A_1008 = vector.broadcast %eq3A_1007 : i32 to vector<16xi32>
      %eq3A_1009 = arith.cmpi eq, %iota3A, %eq3A_1008 : vector<16xi32>
      %broadcast_in_dim3A_1010 = vector.broadcast %mul3A_994 : f32 to vector<16xf32>
      %select_n3A_1011 = arith.select %eq3A_1009, %broadcast_in_dim3A_1010, %select_n3A_1006 : vector<16xi1>, vector<16xf32>
      %eq3A_1012 = arith.constant 0 : i32
      %eq3A_1013 = vector.broadcast %eq3A_1012 : i32 to vector<16xi32>
      %eq3A_1014 = arith.cmpi eq, %iota3A, %eq3A_1013 : vector<16xi32>
      %broadcast_in_dim3A_1015 = vector.broadcast %mul3A_992 : f32 to vector<16xf32>
      %select_n3A_1016 = arith.select %eq3A_1014, %broadcast_in_dim3A_1015, %select_n3A_1011 : vector<16xi1>, vector<16xf32>
      %broadcast_in_dim3A_1017 = arith.constant 0.000000e+00 : f32
      %broadcast_in_dim3A_1018 = vector.broadcast %broadcast_in_dim3A_1017 : f32 to vector<16xf32>
      %eq3A_1019 = arith.constant 2 : i32
      %eq3A_1020 = vector.broadcast %eq3A_1019 : i32 to vector<16xi32>
      %eq3A_1021 = arith.cmpi eq, %iota3A, %eq3A_1020 : vector<16xi32>
      %broadcast_in_dim3A_1022 = vector.broadcast %reduce_sum3A_927 : f32 to vector<16xf32>
      %select_n3A_1023 = arith.select %eq3A_1021, %broadcast_in_dim3A_1022, %broadcast_in_dim3A_1018 : vector<16xi1>, vector<16xf32>
      %eq3A_1024 = arith.constant 1 : i32
      %eq3A_1025 = vector.broadcast %eq3A_1024 : i32 to vector<16xi32>
      %eq3A_1026 = arith.cmpi eq, %iota3A, %eq3A_1025 : vector<16xi32>
      %broadcast_in_dim3A_1027 = vector.broadcast %reduce_sum3A_947 : f32 to vector<16xf32>
      %select_n3A_1028 = arith.select %eq3A_1026, %broadcast_in_dim3A_1027, %select_n3A_1023 : vector<16xi1>, vector<16xf32>
      %eq3A_1029 = arith.constant 0 : i32
      %eq3A_1030 = vector.broadcast %eq3A_1029 : i32 to vector<16xi32>
      %eq3A_1031 = arith.cmpi eq, %iota3A, %eq3A_1030 : vector<16xi32>
      %broadcast_in_dim3A_1032 = vector.broadcast %reduce_sum3A_907 : f32 to vector<16xf32>
      %select_n3A_1033 = arith.select %eq3A_1031, %broadcast_in_dim3A_1032, %select_n3A_1028 : vector<16xi1>, vector<16xf32>
      %mul3A_1034 = arith.constant 4.000000e+00 : f32
      %mul3A_1035 = arith.mulf %mul3A_1034, %reduce_sum3A_877 : f32
      %mul3A_1036 = arith.constant 2.000000e+01 : f32
      %mul3A_1037 = arith.mulf %mul3A_1036, %reduce_sum3A_877 : f32
      %broadcast_in_dim3A_1038 = arith.constant 1.000000e+00 : f32
      %broadcast_in_dim3A_1039 = vector.broadcast %broadcast_in_dim3A_1038 : f32 to vector<16xf32>
      %eq3A_1040 = arith.constant 2 : i32
      %eq3A_1041 = vector.broadcast %eq3A_1040 : i32 to vector<16xi32>
      %eq3A_1042 = arith.cmpi eq, %iota3A, %eq3A_1041 : vector<16xi32>
      %broadcast_in_dim3A_1043 = vector.broadcast %reduce_sum3A_877 : f32 to vector<16xf32>
      %select_n3A_1044 = arith.select %eq3A_1042, %broadcast_in_dim3A_1043, %broadcast_in_dim3A_1039 : vector<16xi1>, vector<16xf32>
      %eq3A_1045 = arith.constant 1 : i32
      %eq3A_1046 = vector.broadcast %eq3A_1045 : i32 to vector<16xi32>
      %eq3A_1047 = arith.cmpi eq, %iota3A, %eq3A_1046 : vector<16xi32>
      %broadcast_in_dim3A_1048 = vector.broadcast %mul3A_1037 : f32 to vector<16xf32>
      %select_n3A_1049 = arith.select %eq3A_1047, %broadcast_in_dim3A_1048, %select_n3A_1044 : vector<16xi1>, vector<16xf32>
      %eq3A_1050 = arith.constant 0 : i32
      %eq3A_1051 = vector.broadcast %eq3A_1050 : i32 to vector<16xi32>
      %eq3A_1052 = arith.cmpi eq, %iota3A, %eq3A_1051 : vector<16xi32>
      %broadcast_in_dim3A_1053 = vector.broadcast %mul3A_1035 : f32 to vector<16xf32>
      %select_n3A_1054 = arith.select %eq3A_1052, %broadcast_in_dim3A_1053, %select_n3A_1049 : vector<16xi1>, vector<16xf32>
      %broadcast_in_dim3A_1055 = arith.constant 0.000000e+00 : f32
      %broadcast_in_dim3A_1056 = vector.broadcast %broadcast_in_dim3A_1055 : f32 to vector<16xf32>
      %eq3A_1057 = arith.constant 3 : i32
      %eq3A_1058 = vector.broadcast %eq3A_1057 : i32 to vector<16xi32>
      %eq3A_1059 = arith.cmpi eq, %iota3A, %eq3A_1058 : vector<16xi32>
      %jit3A_1060 = arith.constant 7.812500e-03 : f32
      %broadcast_in_dim3A_1061 = vector.broadcast %jit3A_1060 : f32 to vector<16xf32>
      %select_n3A_1062 = arith.select %eq3A_1059, %broadcast_in_dim3A_1061, %broadcast_in_dim3A_1056 : vector<16xi1>, vector<16xf32>
      %eq3A_1063 = arith.constant 2 : i32
      %eq3A_1064 = vector.broadcast %eq3A_1063 : i32 to vector<16xi32>
      %eq3A_1065 = arith.cmpi eq, %iota3A, %eq3A_1064 : vector<16xi32>
      %jit3A_1066 = arith.constant 1.562500e-02 : f32
      %broadcast_in_dim3A_1067 = vector.broadcast %jit3A_1066 : f32 to vector<16xf32>
      %select_n3A_1068 = arith.select %eq3A_1065, %broadcast_in_dim3A_1067, %select_n3A_1062 : vector<16xi1>, vector<16xf32>
      %eq3A_1069 = arith.constant 1 : i32
      %eq3A_1070 = vector.broadcast %eq3A_1069 : i32 to vector<16xi32>
      %eq3A_1071 = arith.cmpi eq, %iota3A, %eq3A_1070 : vector<16xi32>
      %jit3A_1072 = arith.constant 1.562500e-02 : f32
      %broadcast_in_dim3A_1073 = vector.broadcast %jit3A_1072 : f32 to vector<16xf32>
      %select_n3A_1074 = arith.select %eq3A_1071, %broadcast_in_dim3A_1073, %select_n3A_1068 : vector<16xi1>, vector<16xf32>
      %eq3A_1075 = arith.constant 0 : i32
      %eq3A_1076 = vector.broadcast %eq3A_1075 : i32 to vector<16xi32>
      %eq3A_1077 = arith.cmpi eq, %iota3A, %eq3A_1076 : vector<16xi32>
      %jit3A_1078 = arith.constant 7.812500e-02 : f32
      %broadcast_in_dim3A_1079 = vector.broadcast %jit3A_1078 : f32 to vector<16xf32>
      %select_n3A_1080 = arith.select %eq3A_1077, %broadcast_in_dim3A_1079, %select_n3A_1074 : vector<16xi1>, vector<16xf32>
      %div3A = arith.divf %select_n3A_990, %select_n3A_1016 : vector<16xf32>
      %div3A_1081 = arith.divf %select_n3A_1033, %select_n3A_1054 : vector<16xf32>
      %add3A_1082 = arith.addf %div3A, %div3A_1081 : vector<16xf32>
      %mul3A_1083 = arith.mulf %add3A_1082, %select_n3A_1080 : vector<16xf32>
      %mul3A_1084 = arith.constant 16 : i32
      %mul3A_1085 = vector.broadcast %mul3A_1084 : i32 to vector<16xi32>
      %mul3A_1086 = arith.muli %iota3A, %mul3A_1085 : vector<16xi32>
      tpu.vector_store_idx %arg14[%mul3A_1086], %mul3A_1083 : memref<64xf32, #tpu.memory_space<vmem>>[vector<16xi32>], vector<16xf32>,
      "tpu.region"() ({
        %run_scoped3A = tpu.sem_alloc : memref<!tpu.dma_semaphore, #tpu.memory_space<semaphore_mem>>
        %dma_start3A_1087 = arith.constant 0 : i32
        %dma_start3A_1088 = tpu.memref_slice %arg14[%dma_start3A_1087] : memref<64xf32, #tpu.memory_space<vmem>> -> memref<1xf32, #tpu.memory_space<vmem>>
        %dma_start3A_1089 = arith.constant 0 : i32
        %dma_start3A_1090 = tpu.memref_slice %arg14[%dma_start3A_1089] : memref<64xf32, #tpu.memory_space<vmem>> -> memref<1xf32, #tpu.memory_space<vmem>>
        tpu.enqueue_dma source(%dma_start3A_1090 : memref<1xf32, #tpu.memory_space<vmem>>) target(%arg4 : memref<1xf32, #tpu.memory_space<hbm>>) target_semaphore(%run_scoped3A : memref<!tpu.dma_semaphore, #tpu.memory_space<semaphore_mem>>)
        %dma_wait3A_1091 = arith.constant 0 : i32
        %dma_wait3A_1092 = tpu.memref_slice %arg14[%dma_wait3A_1091] : memref<64xf32, #tpu.memory_space<vmem>> -> memref<1xf32, #tpu.memory_space<vmem>>
        %dma_wait3A_1093 = arith.constant 0 : i32
        %dma_wait3A_1094 = tpu.memref_slice %arg14[%dma_wait3A_1093] : memref<64xf32, #tpu.memory_space<vmem>> -> memref<1xf32, #tpu.memory_space<vmem>>
        tpu.wait_dma2 semaphore(%run_scoped3A : memref<!tpu.dma_semaphore, #tpu.memory_space<semaphore_mem>>) src(%dma_wait3A_1094 : memref<1xf32, #tpu.memory_space<vmem>>) dst(%arg4 : memref<1xf32, #tpu.memory_space<hbm>>)
        tpu.yield
      }) : () -> ()
      "tpu.region"() ({
        %run_scoped3A = tpu.sem_alloc : memref<!tpu.dma_semaphore, #tpu.memory_space<semaphore_mem>>
        %dma_start3A_1087 = arith.constant 16 : i32
        %dma_start3A_1088 = tpu.memref_slice %arg14[%dma_start3A_1087] : memref<64xf32, #tpu.memory_space<vmem>> -> memref<1xf32, #tpu.memory_space<vmem>>
        %dma_start3A_1089 = arith.constant 16 : i32
        %dma_start3A_1090 = tpu.memref_slice %arg14[%dma_start3A_1089] : memref<64xf32, #tpu.memory_space<vmem>> -> memref<1xf32, #tpu.memory_space<vmem>>
        tpu.enqueue_dma source(%dma_start3A_1090 : memref<1xf32, #tpu.memory_space<vmem>>) target(%arg5 : memref<1xf32, #tpu.memory_space<hbm>>) target_semaphore(%run_scoped3A : memref<!tpu.dma_semaphore, #tpu.memory_space<semaphore_mem>>)
        %dma_wait3A_1091 = arith.constant 16 : i32
        %dma_wait3A_1092 = tpu.memref_slice %arg14[%dma_wait3A_1091] : memref<64xf32, #tpu.memory_space<vmem>> -> memref<1xf32, #tpu.memory_space<vmem>>
        %dma_wait3A_1093 = arith.constant 16 : i32
        %dma_wait3A_1094 = tpu.memref_slice %arg14[%dma_wait3A_1093] : memref<64xf32, #tpu.memory_space<vmem>> -> memref<1xf32, #tpu.memory_space<vmem>>
        tpu.wait_dma2 semaphore(%run_scoped3A : memref<!tpu.dma_semaphore, #tpu.memory_space<semaphore_mem>>) src(%dma_wait3A_1094 : memref<1xf32, #tpu.memory_space<vmem>>) dst(%arg5 : memref<1xf32, #tpu.memory_space<hbm>>)
        tpu.yield
      }) : () -> ()
      "tpu.region"() ({
        %run_scoped3A = tpu.sem_alloc : memref<!tpu.dma_semaphore, #tpu.memory_space<semaphore_mem>>
        %dma_start3A_1087 = arith.constant 32 : i32
        %dma_start3A_1088 = tpu.memref_slice %arg14[%dma_start3A_1087] : memref<64xf32, #tpu.memory_space<vmem>> -> memref<1xf32, #tpu.memory_space<vmem>>
        %dma_start3A_1089 = arith.constant 32 : i32
        %dma_start3A_1090 = tpu.memref_slice %arg14[%dma_start3A_1089] : memref<64xf32, #tpu.memory_space<vmem>> -> memref<1xf32, #tpu.memory_space<vmem>>
        tpu.enqueue_dma source(%dma_start3A_1090 : memref<1xf32, #tpu.memory_space<vmem>>) target(%arg6 : memref<1xf32, #tpu.memory_space<hbm>>) target_semaphore(%run_scoped3A : memref<!tpu.dma_semaphore, #tpu.memory_space<semaphore_mem>>)
        %dma_wait3A_1091 = arith.constant 32 : i32
        %dma_wait3A_1092 = tpu.memref_slice %arg14[%dma_wait3A_1091] : memref<64xf32, #tpu.memory_space<vmem>> -> memref<1xf32, #tpu.memory_space<vmem>>
        %dma_wait3A_1093 = arith.constant 32 : i32
        %dma_wait3A_1094 = tpu.memref_slice %arg14[%dma_wait3A_1093] : memref<64xf32, #tpu.memory_space<vmem>> -> memref<1xf32, #tpu.memory_space<vmem>>
        tpu.wait_dma2 semaphore(%run_scoped3A : memref<!tpu.dma_semaphore, #tpu.memory_space<semaphore_mem>>) src(%dma_wait3A_1094 : memref<1xf32, #tpu.memory_space<vmem>>) dst(%arg6 : memref<1xf32, #tpu.memory_space<hbm>>)
        tpu.yield
      }) : () -> ()
      "tpu.region"() ({
        %run_scoped3A = tpu.sem_alloc : memref<!tpu.dma_semaphore, #tpu.memory_space<semaphore_mem>>
        %dma_start3A_1087 = arith.constant 48 : i32
        %dma_start3A_1088 = tpu.memref_slice %arg14[%dma_start3A_1087] : memref<64xf32, #tpu.memory_space<vmem>> -> memref<1xf32, #tpu.memory_space<vmem>>
        %dma_start3A_1089 = arith.constant 48 : i32
        %dma_start3A_1090 = tpu.memref_slice %arg14[%dma_start3A_1089] : memref<64xf32, #tpu.memory_space<vmem>> -> memref<1xf32, #tpu.memory_space<vmem>>
        tpu.enqueue_dma source(%dma_start3A_1090 : memref<1xf32, #tpu.memory_space<vmem>>) target(%arg7 : memref<1xf32, #tpu.memory_space<hbm>>) target_semaphore(%run_scoped3A : memref<!tpu.dma_semaphore, #tpu.memory_space<semaphore_mem>>)
        %dma_wait3A_1091 = arith.constant 48 : i32
        %dma_wait3A_1092 = tpu.memref_slice %arg14[%dma_wait3A_1091] : memref<64xf32, #tpu.memory_space<vmem>> -> memref<1xf32, #tpu.memory_space<vmem>>
        %dma_wait3A_1093 = arith.constant 48 : i32
        %dma_wait3A_1094 = tpu.memref_slice %arg14[%dma_wait3A_1093] : memref<64xf32, #tpu.memory_space<vmem>> -> memref<1xf32, #tpu.memory_space<vmem>>
        tpu.wait_dma2 semaphore(%run_scoped3A : memref<!tpu.dma_semaphore, #tpu.memory_space<semaphore_mem>>) src(%dma_wait3A_1094 : memref<1xf32, #tpu.memory_space<vmem>>) dst(%arg7 : memref<1xf32, #tpu.memory_space<hbm>>)
        tpu.yield
      }) : () -> ()
    } else {
    }
    return
  }
}

</mosaic_0001>

<sc_bundles>
// kernel: kernel.3.cloned.1.call-start
scs
__scs_entry_jumppad:
0x0: {  	(pc) =	sbr.rel $0x88, $3  }
0x1: {  	(tag) =	ssettag $0x0;
	lr =	simm.s32 $0x1  }
0x2: {  	[smem:$0x3F9F] =	sst lr;
	_ =	strace $0xD0000000  }
0x3: {  	_ = 	snop  }
0x4: {  	_ = 	snop  }
0x5: {  	_ = 	snop  }
0x6: {  	_ = 	snop  }
0x7: {  	_ = 	snop  }
__scs_overlays_trampoline_lowered:
0x8: {  	[smem:$0x3FAE] =	sst s0  }
0x9: {  	[smem:$0x3FAF] =	sst s1  }
0xa: {  	[smem:$0x3FB0] =	sst s2  }
0xb: {  	[smem:$0x3FB1] =	sst s3  }
0xc: {  	[smem:$0x3FB2] =	sst s4  }
0xd: {  	[smem:$0x3FB3] =	sst s5  }
0xe: {  	[smem:$0x3FB4] =	sst s6  }
0xf: {  	[smem:$0x3FB5] =	sst s7  }
0x10: {  	[smem:$0x3FB6] =	sst s8  }
0x11: {  	[smem:$0x3FB7] =	sst s9;
	s0 =	simm.s32 @!p0 $0x0  }
0x12: {  	s1 =	sld [smem:$0x3F9D];
	s0 =	simm.s32 @p0 $0x1  }
0x13: {  	[smem:$0x3FB8] =	sst s0;
	s0 =	simm.s32 @!p1 $0x0  }
0x14: {  	s2 =	sld [smem:$0x3F9C];
	s0 =	simm.s32 @p1 $0x1  }
0x15: {  	[smem:$0x3FB9] =	sst s0;
	s0 =	simm.s32 @!p2 $0x0  }
0x16: {  	s3 =	sld [smem:$0x3FDB];
	s0 =	simm.s32 @p2 $0x1  }
0x17: {  	s4 =	simm.s32 $0x1BF5;
	[smem:$0x3FBB] =	sst s0  }
0x18: {  	s0 =	sld [smem:$0x3F9E];
	_ =	swait.ge [sflag:s4], $0x0  }
0x19: {  	s7 =	sld [smem:$0x3F9F]  }
0x1a: {  	s8 =	sadd.s32 $0xFFFFE003, lr  }
0x1b: {  	s9 =	sadd.s32 $0xFFFFFEF7, lr;
	s5 =	simm.s32 $0xFFFFFFFF;
	p2 =	slt.u32 s8, $0xFFFFF086  }
0x1c: {  	p1 =	slt.u32 s9, $0xF7A;
	s5 =	simm.s32 @!p2 $0x0  }
0x1d: {  	s5 =	simm.s32 @p1 $0x1;
	p0 =	seq.s32 s7, s2  }
0x1e: {  	s7 =	smul.u32 @!p0 $0xF7A, s2;
	p2 =	seq.s32 @!p0 s5, $0x0  }
0x1f: {  	s9 =	smul.u32 $0xF7A, s1;
	s8 =	simm.s32 @!p0 $0x1BF5;
	p2 =	por !p2, p0  }
0x20: {  	[sflag:s8] =	ssyncset.s32 @!p0 $0xFFFFF086;
	s6 =	sadd.s32 @!p0 s3, s7;
	s7 =	simm.s32 @!p0 $0x108  }
0x21: {  	s3 =	sadd.s32 s3, s9;
	s6 =	sadd.s32 @!p0 $0x88, s6;
	s7 =	simm.s32 @p2 $0x1082  }
0x22: {  	[simem:s7], [sflag:s8] =	dma.local @!p0 [hbm:s6], $0xF7A  }
0x23: {  	s9 =	sor.u32 $0xD0000000, s2;
	s6 =	simm.s32 $0x108;
	_ =	swait.ge @!p0 [sflag:s8], $0x0  }
0x24: {  	s3 =	sadd.s32 $0x88, s3;
	s6 =	simm.s32 @!p1 $0x1082;
	[sflag:s4] =	ssyncset.s32 $0xFFFFF086  }
0x25: {  	[simem:s6], [sflag:s4] =	dma.local [hbm:s3], $0xF7A  }
0x26: {  	[smem:$0x3F9F] =	sst s1;
	(tag) =	ssettag s2;
	_ =	strace s9  }
0x27: {  	s1 =	sld [smem:$0x3FAF]  }
0x28: {  	s2 =	sld [smem:$0x3FB0]  }
0x29: {  	s4 =	sld [smem:$0x3FB2]  }
0x2a: {  	p0 =	seq.s32 s5, $0x0;
	s5 =	sld [smem:$0x3FB3]  }
0x2b: {  	s6 =	sld [smem:$0x3FB4]  }
0x2c: {  	s7 =	sld [smem:$0x3FB5]  }
0x2d: {  	s3 =	simm.s32 $0x108;
	s8 =	sld [smem:$0x3FB6]  }
0x2e: {  	s3 =	simm.s32 @!p0 $0x1082;
	s9 =	sld [smem:$0x3FB7]  }
0x2f: {  	lr =	sadd.s32 s0, s3;
	s0 =	sld [smem:$0x3FAE]  }
0x30: {  	s3 =	sld [smem:$0x3FB1]  }
0x31: {  	[smem:$0x3FBA] =	sst s10  }
0x32: {  	s10 =	sld [smem:$0x3FB8];
	_ =	sdelay $0x3  }
0x33: {  	p0 =	seq.s32 s10, $0x1;
	s10 =	sld [smem:$0x3FBA];
	_ =	sdelay $0x3  }
0x34: {  	[smem:$0x3FBA] =	sst s10  }
0x35: {  	s10 =	sld [smem:$0x3FB9];
	_ =	sdelay $0x3  }
0x36: {  	p1 =	seq.s32 s10, $0x1;
	s10 =	sld [smem:$0x3FBA];
	_ =	sdelay $0x3  }
0x37: {  	[smem:$0x3FBA] =	sst s10  }
0x38: {  	s10 =	sld [smem:$0x3FBB]  }
0x39: {  	_ = 	snop;
	(pc) =	sbr.ind lr, $3  }
0x3a: {  	_ = 	snop  }
0x3b: {  	_ = 	snop  }
0x3c: {  	p2 =	seq.s32 s10, $0x1;
	s10 =	sld [smem:$0x3FBA]  }
0x3d: {  	_ =	shalt  }
0x3e: {  	_ =	shalt  }
0x3f: {  	_ =	shalt  }
0x40: {  	_ =	shalt  }
0x41: {  	_ =	shalt  }
0x42: {  	_ =	shalt  }
0x43: {  	_ =	shalt  }
0x44: {  	_ =	shalt  }
0x45: {  	_ =	shalt  }
0x46: {  	_ =	shalt  }
0x47: {  	_ =	shalt  }
0x48: {  	_ =	shalt  }
0x49: {  	_ =	shalt  }
0x4a: {  	_ =	shalt  }
0x4b: {  	_ =	shalt  }
0x4c: {  	_ =	shalt  }
0x4d: {  	_ =	shalt  }
0x4e: {  	_ =	shalt  }
0x4f: {  	_ =	shalt  }
0x50: {  	_ =	shalt  }
0x51: {  	_ =	shalt  }
0x52: {  	_ =	shalt  }
0x53: {  	_ =	shalt  }
0x54: {  	_ =	shalt  }
0x55: {  	_ =	shalt  }
0x56: {  	_ =	shalt  }
0x57: {  	_ =	shalt  }
0x58: {  	_ =	shalt  }
0x59: {  	_ =	shalt  }
0x5a: {  	_ =	shalt  }
0x5b: {  	_ =	shalt  }
0x5c: {  	_ =	shalt  }
0x5d: {  	_ =	shalt  }
0x5e: {  	_ =	shalt  }
0x5f: {  	_ =	shalt  }
0x60: {  	_ =	shalt  }
0x61: {  	_ =	shalt  }
0x62: {  	_ =	shalt  }
0x63: {  	_ =	shalt  }
0x64: {  	_ =	shalt  }
0x65: {  	_ =	shalt  }
0x66: {  	_ =	shalt  }
0x67: {  	_ =	shalt  }
0x68: {  	_ =	shalt  }
0x69: {  	_ =	shalt  }
0x6a: {  	_ =	shalt  }
0x6b: {  	_ =	shalt  }
0x6c: {  	_ =	shalt  }
0x6d: {  	_ =	shalt  }
0x6e: {  	_ =	shalt  }
0x6f: {  	_ =	shalt  }
0x70: {  	_ =	shalt  }
0x71: {  	_ =	shalt  }
0x72: {  	_ =	shalt  }
0x73: {  	_ =	shalt  }
0x74: {  	_ =	shalt  }
0x75: {  	_ =	shalt  }
0x76: {  	_ =	shalt  }
0x77: {  	_ =	shalt  }
0x78: {  	_ =	shalt  }
0x79: {  	_ =	shalt  }
0x7a: {  	_ =	shalt  }
0x7b: {  	_ =	shalt  }
0x7c: {  	_ =	shalt  }
0x7d: {  	_ =	shalt  }
0x7e: {  	_ =	shalt  }
0x7f: {  	_ =	shalt  }
0x80: {  	_ =	shalt  }
0x81: {  	_ =	shalt  }
0x82: {  	_ =	shalt  }
0x83: {  	_ =	shalt  }
0x84: {  	_ =	shalt  }
0x85: {  	_ =	shalt  }
0x86: {  	_ =	shalt  }
0x87: {  	_ =	shalt  }
.Lfunc_end0:
.L_simem_size_0:
called_computation_lowered:
.L_overlay_start_0:
0x88: {  	s0 =	sld [smem:$0x3FD9]  }
0x89: {  	s1 =	sld [smem:$0x3FFE];
	_ =	sdelay $0x3  }
0x8a: {  	s0 =	sadd.s32 s1, s0  }
0x8b: {  	[smem:$0x3FC6] =	sst s0  }
0x8c: {  	_ = 	snop  }
0x8d: {  	s0 =	sld [smem:$0x3FD0];
	_ =	sdelay $0x2  }
0x8e: {  	s13 =	simm.s32 $0xA;
	s2 =	simm.s32 $0x10  }
0x8f: {  	[smem:s2], [sflag:s13] =	dma.local [hbm:s0], $0x1  }
0x90: {  	_ =	swait.eq [sflag:s13], $0x1  }
0x91: {  	s14 =	sld [smem:$0x10]  }
0x92: {  	s15 =	sld [smem:$0x11];
	[sflag:s13] =	ssyncset.done $0x0  }
0x93: {  	s3 =	sld [smem:$0x12];
	[sflag:s13] =	ssyncadd.s32 $0xFFFFFFFF  }
0x94: {  	s16 =	sld [smem:$0x13];
	(tm) =	ssettm $0x1  }
0x95: {  	s4 =	sld [smem:$0x3FFB];
	_ =	sdelay $0x3  }
0x96: {  	_ =	strace s4  }
0x97: {  	s4 =	sld [smem:$0x3FFC];
	_ =	sdelay $0x3  }
0x98: {  	_ =	strace s4  }
0x99: {  	s4 =	sld [smem:$0x3FFD];
	_ =	sdelay $0x3  }
0x9a: {  	_ =	strace s4  }
0x9b: {  	_ =	strace $0x8FFFFFFF  }
0x9c: {  	s17 =	sld [smem:$0x3FDB];
	_ =	sdelay $0x1  }
0x9d: {  	s5 =	simm.s32 $_scs_section_size  }
0x9e: {  	s6 =	simm.s32 $_size__tile_overlayer_lowered;
	s7 =	simm.s32 $_tile_overlayer_lowered  }
0x9f: {  	s20 =	simm.s32 $0x1BFF;
	s19 =	sshll.u32 s7, $0x1;
	s4 =	sadd.s32 s5, s17  }
0xa0: {  	s8 =	simm.s32 $0x0;
	s18 =	sshll.u32 s6, $0x1;
	s6 =	sadd.s32 s19, s4  }
0xa1: {  	[timem:s8], [sflag:s20] =	dma.local [hbm:s6], s18  }
0xa2: {  	_ =	swait.ge [sflag:s20], s18  }
0xa3: {  	s5 =	ssub.s32 $0x0, s18;
	[sflag:s20] =	ssyncset.done $0x0  }
0xa4: {  	[sflag:s20] =	ssyncadd.s32 s5;
	_ =	sdelay $0x1  }
0xa5: {  	s21 =	simm.s32 $0x1B8B  }
0xa6: {  	_ =	swait.ge [sflag:s21], $0x1  }
0xa7: {  	[sflag:s21] =	ssyncset.done $0x0  }
0xa8: {  	s23 =	simm.s32 $0x1B8E;
	s22 =	sld [smem:$0x3FFE];
	[sflag:s21] =	ssyncadd.s32 $0xFFFFFFFF  }
0xa9: {  	s24 =	simm.s32 $execute0_lowered;
	[smem:$0x3FD2] =	sst s23  }
0xaa: {  	s6 =	sshll.u32 s24, $0x1;
	_ =	strace $0x80000046;
	[dreg:$0x1] =	wrdreg $0xFFFFFFFF  }
0xab: {  	s25 =	simm.s32 $_size_execute0_lowered;
	s4 =	sadd.s32 s4, s6;
	[dreg:$0x0] =	wrdreg $0x0  }
0xac: {  	s6 =	sshll.u32 s25, $0x1;
	[dreg:$0x2] =	wrdreg s4  }
0xad: {  	[dreg:$0x3] =	wrdreg s6  }
0xae: {  	[dreg:$0x4] =	wrdreg $0xC0  }
0xaf: {  	_ =	task [dreg:s8], $0x5FFFF  }
0xb0: {  	[dreg:$0x1] =	wrdreg $0xFFFFFFFF  }
0xb1: {  	[dreg:$0x0] =	wrdreg $0x60  }
0xb2: {  	[dreg:$0x2] =	wrdreg s22  }
0xb3: {  	[dreg:$0x3] =	wrdreg s14  }
0xb4: {  	[dreg:$0x4] =	wrdreg s15  }
0xb5: {  	[dreg:$0x5] =	wrdreg s3  }
0xb6: {  	[dreg:$0x6] =	wrdreg s16  }
0xb7: {  	[dreg:$0x7] =	wrdreg $0x2F000  }
0xb8: {  	[dreg:$0x8] =	wrdreg $0x9  }
0xb9: {  	_ =	task.clear_ibuf [dreg:s8], $0x9FFFF;
	_ =	strace $0x90000046  }
0xba: {  	s26 =	simm.s32 $0x9;
	_ =	strace $0x80000048  }
0xbb: {  	_ =	swait.ge [sflag:s26], $0x1  }
0xbc: {  	[sflag:s26] =	ssyncadd.s32 $0xFFFFFFFF  }
0xbd: {  	_ =	strace $0x90000048  }
0xbe: {  	_ =	sfence  }
0xbf: {  	s28 =	sld [smem:$0x0];
	_ =	sdelay $0x1  }
0xc0: {  	s29 =	srdreg.scid  }
0xc1: {  	s30 =	sshll.u32 s29, $0xD;
	s31 =	sshrl.u32 s29, $0x2  }
0xc2: {  	s1 =	sand.u32 $0x1, s29;
	s2 =	sand.u32 $0x4000, s30;
	s0 =	sadd.s32 s31, s28  }
0xc3: {  	s1 =	sor.u32 s2, s1;
	s0 =	sshll.u32 s0, $0x11  }
0xc4: {  	s0 =	sor.u32 s0, s1  }
0xc5: {  	s0 =	sadd.s32 $0x8F2B, s0  }
0xc6: {  	[sflag:s0] =	ssyncadd.remote.s32 $0x1  }
0xc7: {  	_ =	sfence.sel $0xFFFF  }
0xc8: {  	[dreg:$0x0] =	wrdreg $0xFFFFFFFF;
	(pc) =	sbr.abs _section_cstart, $3  }
0xc9: {  	[dreg:$0x1] =	wrdreg $0xFFFFFFFF  }
0xca: {  	_ =	task.clear_ibuf [dreg:s8], $0x2FFFF;
	_ =	strace $0x9FFFFFFF  }
0xcb: {  	(tm) =	ssettm $0x7FFFFFFF  }
tec
execute0_lowered:
.L_overlay_start_1:
0x0: {  	(tag) =	ssettag $0x1  }
0x1: {  	v0 =	vimm.s32 $0x35F63990;
	vm0 =	vcmask $0x300;
	vm3 =	vcmask $0x704  }
0x2: {  	vm2 =	vcmask $0xB08;
	vm1 =	vcmask $0xF0C;
	vm13 =	vcmask $0x1310  }
0x3: {  	vm12 =	vcmask $0x1714;
	vm11 =	vcmask $0x1B18;
	vm9 =	vcmask $0x1F1C  }
0x4: {  	s8 =	rddreg [dreg:$0x0];
	vm7 =	vcmask $0x2320;
	vm5 =	vcmask $0x2724;
	v1 =	vimm.s32 $0x15DDDA28  }
0x5: {  	s4 =	rddreg [dreg:$0x1];
	vm4 =	vcmask $0x2B28;
	v2 =	vimm.s32 $0x6A1BB204;
	vm6 =	vcmask $0x2F2C  }
0x6: {  	s3 =	rddreg [dreg:$0x2];
	vm8 =	vcmask $0x3330;
	vm10 =	vcmask $0x3734;
	v3 =	vimm.s32 $0xAB7650D5  }
0x7: {  	s2 =	rddreg [dreg:$0x3];
	v4 =	vimm.s32 $0x874EC01C;
	v5 =	vimm.s32 $0x2B47343C;
	v12 =	vlaneseq.u32  }
0x8: {  	s1 =	rddreg [dreg:$0x4];
	v0 =	vsel vm0, $0xEDFE366B, v0;
	v1 =	vsel vm0, $0xFFA58B4D, v1;
	v2 =	vsel vm0, $0xA2D153C3, v2  }
0x9: {  	s6 =	stileid.u32;
	s5 =	rddreg [dreg:$0x5];
	s7 =	simm.s32 $0x0;
	v3 =	vsel vm0, $0x913A15DB, v3;
	v4 =	vsel vm0, $0xB98C00D4, v4;
	v5 =	vsel vm0, $0x19C2D79, v5  }
0xa: {  	s9 =	smul.u32 $0x2DF, s6;
	[smem:$0x7FF] =	sst s7;
	v6 =	vor.u32 $0x10, v12;
	v7 =	vor.u32 $0x20, v12;
	v8 =	vor.u32 $0x30, v12  }
0xb: {  	s0 =	rddreg [dreg:$0x6];
	_ =	strace $0x80000047;
	v0 =	vsel vm3, $0x4BF141D7, v0;
	v1 =	vsel vm3, $0x2738C434, v1  }
0xc: {  	v2 =	vsel vm3, $0x9B783E13, v2;
	v3 =	vsel vm3, $0xA4F84116, v3;
	v4 =	vsel vm3, $0x1F9B8261, v4  }
0xd: {  	v5 =	vsel vm3, $0x48DCA6B8, v5;
	v0 =	vsel vm2, $0x12D80347, v0;
	v1 =	vsel vm2, $0x11F8C7A9, v1  }
0xe: {  	s8 =	sadd.s32 s9, s8;
	v2 =	vsel vm2, $0xAA66ECCF, v2;
	v3 =	vsel vm2, $0x8C6F0023, v3;
	v4 =	vsel vm2, $0x50A8AFAE, v4  }
0xf: {  	v5 =	vsel vm2, $0x3F156088, v5;
	s9 =	sadd.s32 $0xA00, s8;
	s30 =	sadd.s32 $0x3800, s8;
	v0 =	vsel vm1, $0x86F36689, v0  }
0x10: {  	v1 =	vsel vm1, $0xB8CE21F, v1;
	v2 =	vsel vm1, $0x6294A6E4, v2;
	v3 =	vsel vm1, $0x446C20DB, v3  }
0x11: {  	v9 =	vor.u32 $0x40, v12;
	v4 =	vsel vm1, $0xF34DEADE, v4;
	[tilespmem:s7], [sflag:$0x1] =	stream.linear.gather [hbm4b:s9+s7], $0x16F8, $0x38;
	[tilespmem:$0x3090] =	vst v63  }
0x12: {  	v5 =	vsel vm1, $0xDBFD6E81, v5;
	v0 =	vsel vm13, $0x8631D088, v0;
	v1 =	vsel vm13, $0x98CEB496, v1  }
0x13: {  	v2 =	vsel vm13, $0xF7FFE497, v2;
	v3 =	vsel vm13, $0x1A357A77, v3;
	v4 =	vsel vm13, $0xC54A0EE6, v4  }
0x14: {  	s8 =	simm.s32 $0x1700;
	v5 =	vsel vm13, $0x59147800, v5;
	s9 =	simm.s32 $0x2E00;
	v0 =	vsel vm12, $0x44AF0660, v0  }
0x15: {  	v1 =	vsel vm12, $0x91C1EF01, v1;
	v2 =	vsel vm12, $0x166AEB6F, v2;
	v3 =	vsel vm12, $0x2D6458CB, v3  }
0x16: {  	vm13 =	vcmask $0x3B38;
	v4 =	vsel vm12, $0x6ECC149D, v4;
	[tilespmem:s8], [sflag:$0x2] =	stream.linear.gather [hbm4b:s30+s7], $0x16F8, $0x38;
	[tilespmem:$0x3090] =	vst v63  }
0x17: {  	v5 =	vsel vm12, $0x331CAD78, v5;
	v0 =	vsel vm11, $0x55952FCB, v0;
	v1 =	vsel vm11, $0x440F7F1E, v1  }
0x18: {  	v2 =	vsel vm11, $0xA83940F1, v2;
	v3 =	vsel vm11, $0x4E466099, v3;
	v4 =	vsel vm11, $0x6D9F3AB9, v4  }
0x19: {  	v5 =	vsel vm11, $0x394CA59C, v5;
	v0 =	vsel vm9, $0xB68CEDCB, v0;
	v1 =	vsel vm9, $0x23BCCD0B, v1  }
0x1a: {  	v2 =	vsel vm9, $0x7DF99E11, v2;
	v3 =	vsel vm9, $0x615D09AE, v3;
	v4 =	vsel vm9, $0x1AC65C96, v4  }
0x1b: {  	v5 =	vsel vm9, $0x838EFB7F, v5;
	v0 =	vsel vm7, $0x3E465B11, v0;
	v1 =	vsel vm7, $0xDFAE8A88, v1  }
0x1c: {  	v2 =	vsel vm7, $0x59B420D6, v2;
	v3 =	vsel vm7, $0x11DD3E54, v3;
	v4 =	vsel vm7, $0x8155A6CC, v4  }
0x1d: {  	v5 =	vsel vm7, $0x996304F, v5;
	v0 =	vsel vm5, $0x4A53264D, v0;
	v1 =	vsel vm5, $0xD9573FA, v1  }
0x1e: {  	v2 =	vsel vm5, $0xEC8550CB, v2;
	v3 =	vsel vm5, $0xA47CCA95, v3;
	v4 =	vsel vm5, $0x1B54D8FD, v4  }
0x1f: {  	v5 =	vsel vm5, $0x2E56BB3B, v5;
	v0 =	vsel vm4, $0xCE84C1F1, v0;
	v1 =	vsel vm4, $0x273A9D7C, v1  }
0x20: {  	v2 =	vsel vm4, $0x5388C6C2, v2;
	v3 =	vsel vm4, $0x51C0C798, v3;
	v4 =	vsel vm4, $0x6A2EA904, v4  }
0x21: {  	v0 =	vsel vm6, $0x5D7AEEB8, v0;
	v1 =	vsel vm6, $0x5B6AAE18, v1;
	v2 =	vsel vm6, $0x3B3FD25B, v2  }
0x22: {  	v3 =	vsel vm6, $0x1F8F71FD, v3;
	v0 =	vsel vm8, $0xDC3A411E, v0;
	v1 =	vsel vm8, $0xDA5EEA3, v1  }
0x23: {  	v2 =	vsel vm8, $0x77DC2951, v2;
	v3 =	vsel vm8, $0x6B3452A7, v3;
	v0 =	vsel vm10, $0x8BB2EACC, v0  }
0x24: {  	v1 =	vsel vm10, $0x223EF6CB, v1;
	v2 =	vsel vm10, $0x7678361B, v2;
	v3 =	vsel vm10, $0xCB860660, v3  }
0x25: {  	v0 =	vsel vm13, $0xE3A018BD, v0;
	v1 =	vsel vm13, $0x78A1384D, v1;
	v2 =	vsel vm13, $0x246157E9, v2  }
0x26: {  	[tilespmem:v12+s9+$0x0] =	vst.idx.msk $0xffff, v0;
	v0 =	vsel vm6, $0x7265A7C3, v4;
	v4 =	vsel vm4, $0x57E6EBA0, v5;
	v5 =	vor.u32 $0x50, v12  }
0x27: {  	[tilespmem:v6+s9+$0x0] =	vst.idx.msk $0xffff, v1;
	v0 =	vsel vm8, $0x4D5E9BE0, v0;
	v1 =	vsel vm6, $0x836776A3, v4;
	v4 =	vor.u32 $0x60, v12  }
0x28: {  	[tilespmem:v7+s9+$0x0] =	vst.idx.msk $0xffff, v2;
	v2 =	vsel vm13, $0x4DFA41E, v3;
	v0 =	vsel vm10, $0x5730B974, v0;
	v1 =	vsel vm8, $0xF89F073A, v1  }
0x29: {  	[tilespmem:v8+s9+$0x0] =	vst.idx.msk $0xffff, v2;
	v0 =	vsel vm13, $0xBD7EEFB, v0;
	v1 =	vsel vm10, $0x44DE2B3D, v1;
	v2 =	vimm.s32 $0x0  }
0x2a: {  	[tilespmem:v9+s9+$0x0] =	vst.idx.msk $0xffff, v0;
	v0 =	vsel vm13, $0x678AC5C1, v1;
	v1 =	vsel vm0, $0x51BBC831, v2  }
0x2b: {  	[tilespmem:v5+s9+$0x0] =	vst.idx.msk $0xffff, v0;
	v0 =	vsel vm3, $0x926013B, v1  }
0x2c: {  	s11 =	simm.s32 $0x1;
	[tilespmem:v4+s9+$0x0] =	vst.idx.msk $0xffff, v0  }
0x2d: {  	s10 =	smul.u32 $0xC4, s6;
	_ =	swait.ge [sflag:s11], $0x16F8  }
0x2e: {  	v13 =	vimm.f32 $0.0e+00;
	[sflag:s11] =	ssyncset.done $0x0  }
0x2f: {  	s31 =	simm.s32 $0x2;
	v10 =	vimm.f32 $0.0e+00;
	v11 =	vmov s10;
	v6 =	vimm.f32 $0.0e+00;
	[sflag:s11] =	ssyncadd.s32 $0xFFFFE908  }
0x30: {  	v7 =	vimm.f32 $0.0e+00;
	v3 =	vimm.f32 $0.0e+00;
	v8 =	vimm.f32 $0.0e+00;
	_ =	swait.ge [sflag:s31], $0x16F8  }
0x31: {  	v2 =	vimm.f32 $0.0e+00;
	v9 =	vimm.f32 $0.0e+00;
	v1 =	vimm.f32 $0.0e+00;
	[sflag:s31] =	ssyncset.done $0x0  }
0x32: {  	s10 =	simm.s32 $0xFFFFFFFE;
	v5 =	vimm.f32 $0.0e+00;
	v0 =	vimm.f32 $0.0e+00;
	v4 =	vimm.f32 $0.0e+00;
	s11 =	simm.s32 $0x10;
	[sflag:s31] =	ssyncadd.s32 $0xFFFFE908  }
.LBB2_1:
0x33: {  	s12 =	sadd.s32 $0xFFFFFFF0, s11  }
0x34: {  	v25 =	vor.u32 s12, v12  }
0x35: {  	vm4 =	vlt.s32 v25, $0xC3  }
0x36: {  	v15 =	vnsel vm4, $0xC3, v25  }
0x37: {  	v17 =	vmul.u32 $0x1E, v15;
	_ =	sdelay $0x2  }
0x38: {  	v14 =	vor.u32 $0x1, v17;
	_ =	sdelay $0x1  }
0x39: {  	v16 =	vadd.s32 $0x2, v17  }
0x3a: {  	v30 =	vld.idx.msk [tilespmem:v17+s7+$0x0], $0xffff  }
0x3b: {  	v18 =	vadd.s32 $0x3, v17;
	v31 =	vld.idx.msk [tilespmem:v17+s8+$0x0], $0xffff  }
0x3c: {  	v32 =	vld.idx.msk [tilespmem:v14+s7+$0x0], $0xffff  }
0x3d: {  	v19 =	vadd.s32 $0x4, v17;
	v14 =	vld.idx.msk [tilespmem:v14+s8+$0x0], $0xffff  }
0x3e: {  	v33 =	vld.idx.msk [tilespmem:v16+s7+$0x0], $0xffff  }
0x3f: {  	v21 =	vadd.s32 $0x5, v17;
	v34 =	vld.idx.msk [tilespmem:v16+s8+$0x0], $0xffff  }
0x40: {  	v35 =	vld.idx.msk [tilespmem:v18+s7+$0x0], $0xffff  }
0x41: {  	v54 =	vadd.s32 $0x6, v17;
	v36 =	vld.idx.msk [tilespmem:v18+s8+$0x0], $0xffff  }
0x42: {  	v16 =	vld.idx.msk [tilespmem:v19+s7+$0x0], $0xffff  }
0x43: {  	v24 =	vadd.s32 $0x8, v17;
	v20 =	vld.idx.msk [tilespmem:v19+s8+$0x0], $0xffff  }
0x44: {  	v27 =	vld.idx.msk [tilespmem:v21+s7+$0x0], $0xffff  }
0x45: {  	v37 =	vadd.s32 $0x9, v17;
	v28 =	vld.idx.msk [tilespmem:v21+s8+$0x0], $0xffff  }
0x46: {  	v23 =	vld.idx.msk [tilespmem:v54+s7+$0x0], $0xffff  }
0x47: {  	v38 =	vadd.s32 $0xA, v17;
	v26 =	vld.idx.msk [tilespmem:v54+s8+$0x0], $0xffff  }
0x48: {  	v21 =	vld.idx.msk [tilespmem:v24+s7+$0x0], $0xffff  }
0x49: {  	v39 =	vadd.s32 $0xB, v17;
	v29 =	vld.idx.msk [tilespmem:v24+s8+$0x0], $0xffff  }
0x4a: {  	v18 =	vld.idx.msk [tilespmem:v37+s7+$0x0], $0xffff  }
0x4b: {  	v55 =	vadd.s32 $0xC, v17;
	v24 =	vld.idx.msk [tilespmem:v37+s8+$0x0], $0xffff  }
0x4c: {  	v40 =	vld.idx.msk [tilespmem:v38+s7+$0x0], $0xffff  }
0x4d: {  	v41 =	vadd.s32 $0xD, v17;
	v38 =	vld.idx.msk [tilespmem:v38+s8+$0x0], $0xffff  }
0x4e: {  	v42 =	vld.idx.msk [tilespmem:v39+s7+$0x0], $0xffff  }
0x4f: {  	v43 =	vadd.s32 $0xE, v17;
	v39 =	vld.idx.msk [tilespmem:v39+s8+$0x0], $0xffff  }
0x50: {  	v44 =	vld.idx.msk [tilespmem:v55+s7+$0x0], $0xffff  }
0x51: {  	v45 =	vadd.s32 $0xF, v17;
	v37 =	vld.idx.msk [tilespmem:v55+s8+$0x0], $0xffff  }
0x52: {  	v46 =	vld.idx.msk [tilespmem:v41+s7+$0x0], $0xffff  }
0x53: {  	v47 =	vadd.s32 $0x10, v17;
	v41 =	vld.idx.msk [tilespmem:v41+s8+$0x0], $0xffff  }
0x54: {  	v48 =	vld.idx.msk [tilespmem:v43+s7+$0x0], $0xffff  }
0x55: {  	v58 =	vadd.s32 $0x12, v17;
	v43 =	vld.idx.msk [tilespmem:v43+s8+$0x0], $0xffff  }
0x56: {  	v49 =	vadd.s32 $0x11, v17;
	v56 =	vld.idx.msk [tilespmem:v45+s7+$0x0], $0xffff  }
0x57: {  	v57 =	vld.idx.msk [tilespmem:v45+s8+$0x0], $0xffff  }
0x58: {  	v59 =	vld.idx.msk [tilespmem:v47+s7+$0x0], $0xffff  }
0x59: {  	v50 =	vadd.s32 $0x13, v17;
	v47 =	vld.idx.msk [tilespmem:v47+s8+$0x0], $0xffff  }
0x5a: {  	v45 =	vld.idx.msk [tilespmem:v58+s8+$0x0], $0xffff  }
0x5b: {  	v61 =	vadd.s32 $0x14, v17;
	v60 =	vsub.f32 v46, v41;
	v41 =	vld.idx.msk [tilespmem:v49+s7+$0x0], $0xffff  }
0x5c: {  	v38 =	vsub.f32 v40, v38;
	v39 =	vsub.f32 v42, v39;
	v46 =	vld.idx.msk [tilespmem:v49+s8+$0x0], $0xffff  }
0x5d: {  	v52 =	vadd.s32 $0x15, v17;
	v63 =	vsub.f32 v48, v43;
	v43 =	vld.idx.msk [tilespmem:v58+s7+$0x0], $0xffff  }
0x5e: {  	v37 =	vsub.f32 v44, v37;
	v40 =	vld.idx.msk [tilespmem:v50+s7+$0x0], $0xffff;
	v38 =	vmul.f32 v38, v38;
	v39 =	vmul.f32 v39, v39  }
0x5f: {  	v55 =	vadd.s32 $0x16, v17;
	v42 =	vld.idx.msk [tilespmem:v50+s8+$0x0], $0xffff  }
0x60: {  	v44 =	vld.idx.msk [tilespmem:v61+s7+$0x0], $0xffff;
	v37 =	vmul.f32 v37, v37;
	v38 =	vadd.f32 v39, v38  }
0x61: {  	v54 =	vsub.f32 v56, v57;
	v57 =	vsub.f32 v59, v47;
	v58 =	vld.idx.msk [tilespmem:v61+s8+$0x0], $0xffff;
	v59 =	vadd.s32 $0x17, v17  }
0x62: {  	v62 =	vmul.f32 v60, v60;
	v61 =	vsub.f32 v41, v46;
	v41 =	vld.idx.msk [tilespmem:v52+s7+$0x0], $0xffff;
	v37 =	vadd.f32 v37, v38  }
0x63: {  	v22 =	vadd.s32 $0x7, v17;
	v46 =	vld.idx.msk [tilespmem:v52+s8+$0x0], $0xffff  }
0x64: {  	v53 =	vmul.f32 v63, v63;
	v52 =	vsub.f32 v43, v45;
	v43 =	vld.idx.msk [tilespmem:v55+s7+$0x0], $0xffff;
	v37 =	vadd.f32 v62, v37  }
0x65: {  	v45 =	vld.idx.msk [tilespmem:v55+s8+$0x0], $0xffff;
	v55 =	vadd.s32 $0x1A, v17  }
0x66: {  	v56 =	vmul.f32 v54, v54;
	v39 =	vld.idx.msk [tilespmem:v59+s7+$0x0], $0xffff;
	v37 =	vadd.f32 v53, v37  }
0x67: {  	v40 =	vsub.f32 v40, v42;
	v42 =	vld.idx.msk [tilespmem:v59+s8+$0x0], $0xffff;
	v59 =	vadd.s32 $0x1B, v17  }
0x68: {  	v19 =	vld.idx.msk [tilespmem:v22+s7+$0x0], $0xffff;
	v60 =	vmul.f32 v57, v57;
	v62 =	vadd.s32 $0x18, v17;
	v37 =	vadd.f32 v56, v37  }
0x69: {  	v22 =	vld.idx.msk [tilespmem:v22+s8+$0x0], $0xffff;
	v63 =	vmul.f32 v61, v61  }
0x6a: {  	v53 =	vadd.s32 $0x19, v17;
	v41 =	vsub.f32 v41, v46;
	v46 =	vld.idx.msk [tilespmem:v55+s7+$0x0], $0xffff;
	v37 =	vadd.f32 v60, v37  }
0x6b: {  	v54 =	vmul.f32 v52, v52;
	v52 =	vadd.s32 v11, v15;
	v38 =	vld.idx.msk [tilespmem:v55+s8+$0x0], $0xffff  }
0x6c: {  	v14 =	vsub.f32 v32, v14;
	v51 =	vld.idx.msk [tilespmem:v59+s7+$0x0], $0xffff;
	v55 =	vshrl.u32 v52, $0x5;
	v37 =	vadd.f32 v63, v37  }
0x6d: {  	v58 =	vsub.f32 v44, v58;
	v57 =	vmul.f32 v40, v40;
	v61 =	vadd.s32 $0x1C, v17;
	v44 =	vld.idx.msk [tilespmem:v62+s8+$0x0], $0xffff  }
0x6e: {  	v56 =	vadd.f32 v54, v37;
	v37 =	vld.idx.msk [tilespmem:v62+s7+$0x0], $0xffff;
	v62 =	vmul.f32 v14, v14;
	v14 =	vor.u32 s11, v12  }
0x6f: {  	v43 =	vsub.f32 v43, v45;
	v32 =	vld.idx.msk [tilespmem:v53+s7+$0x0], $0xffff;
	v63 =	vadd.s32 $0x1D, v17;
	vm4 =	vlt.s32 v14, $0xC3  }
0x70: {  	v30 =	vsub.f32 v30, v31;
	v60 =	vmul.f32 v58, v58;
	v40 =	vld.idx.msk [tilespmem:v53+s8+$0x0], $0xffff;
	v17 =	vnsel vm4, $0xC3, v14  }
0x71: {  	v58 =	vmul.f32 v43, v43;
	v43 =	vld.idx.msk [tilespmem:v55+s9+$0x0], $0xffff;
	v31 =	vadd.f32 v57, v56;
	v15 =	vmul.u32 $0x1E, v17  }
0x72: {  	v35 =	vsub.f32 v35, v36;
	v54 =	vld.idx.msk [tilespmem:v59+s8+$0x0], $0xffff  }
0x73: {  	v41 =	vmul.f32 v41, v41;
	v57 =	vsub.f32 v33, v34;
	v33 =	vld.idx.msk [tilespmem:v61+s7+$0x0], $0xffff;
	v31 =	vadd.f32 v60, v31  }
0x74: {  	v30 =	vmul.f32 v30, v30;
	v39 =	vsub.f32 v39, v42;
	v36 =	vld.idx.msk [tilespmem:v63+s7+$0x0], $0xffff;
	v59 =	vor.u32 $0x1, v15  }
0x75: {  	v31 =	vadd.f32 v41, v31;
	v41 =	vld.idx.msk [tilespmem:v61+s8+$0x0], $0xffff  }
0x76: {  	v56 =	vadd.f32 v62, v30;
	v62 =	vadd.s32 $0x2, v15;
	v61 =	vmul.f32 v39, v39;
	v39 =	vld.idx.msk [tilespmem:v63+s8+$0x0], $0xffff  }
0x77: {  	vm4 =	vlt.u32 v25, $0xC4;
	v25 =	vld.idx.msk [tilespmem:v15+s7+$0x0], $0xffff  }
0x78: {  	v28 =	vsub.f32 v27, v28;
	v48 =	vsub.f32 v46, v38;
	v38 =	vadd.s32 $0x5, v15;
	v27 =	vld.idx.msk [tilespmem:v15+s8+$0x0], $0xffff  }
0x79: {  	v23 =	vsub.f32 v23, v26;
	v50 =	vadd.s32 $0xA, v15;
	v26 =	vld.idx.msk [tilespmem:v59+s7+$0x0], $0xffff  }
0x7a: {  	v19 =	vsub.f32 v19, v22;
	v47 =	vmul.f32 v28, v28;
	v63 =	vadd.s32 $0x3, v15;
	v28 =	vld.idx.msk [tilespmem:v59+s8+$0x0], $0xffff  }
0x7b: {  	vm6 =	vgt.f32 v20, $0.0e+00;
	v35 =	vmul.f32 v35, v35;
	v30 =	vmul.f32 v57, v57;
	v22 =	vld.idx.msk [tilespmem:v62+s7+$0x0], $0xffff  }
0x7c: {  	v49 =	vmul.f32 v23, v23;
	v55 =	vmul.f32 v19, v19;
	v32 =	vsub.f32 v32, v40;
	v23 =	vld.idx.msk [tilespmem:v62+s8+$0x0], $0xffff  }
0x7d: {  	v57 =	vsub.f32 v21, v29;
	v30 =	vadd.f32 v30, v56;
	v56 =	vadd.s32 $0xB, v15;
	v29 =	vld.idx.msk [tilespmem:v38+s7+$0x0], $0xffff  }
0x7e: {  	v53 =	vmul.f32 v48, v48;
	v60 =	vsub.f32 v37, v44;
	v54 =	vsub.f32 v51, v54;
	v48 =	vld.idx.msk [tilespmem:v50+s8+$0x0], $0xffff  }
0x7f: {  	v32 =	vmul.f32 v32, v32;
	v37 =	vadd.f32 v49, v47;
	v31 =	vadd.f32 v58, v31;
	v19 =	vld.idx.msk [tilespmem:v63+s7+$0x0], $0xffff  }
0x80: {  	v34 =	vmul.f32 v60, v60;
	v60 =	vadd.s32 $0xC, v15;
	v30 =	vadd.f32 v35, v30;
	v21 =	vld.idx.msk [tilespmem:v63+s8+$0x0], $0xffff  }
0x81: {  	v58 =	vmul.f32 v54, v54;
	v54 =	vadd.s32 $0xE, v15;
	v31 =	vadd.f32 v61, v31;
	v63 =	vld.idx.msk [tilespmem:v50+s7+$0x0], $0xffff  }
0x82: {  	v59 =	vadd.f32 v55, v37;
	v61 =	vmul.f32 v57, v57;
	v62 =	vand.u32 $0x1F, v52;
	v49 =	vld.idx.msk [tilespmem:v56+s7+$0x0], $0xffff  }
0x83: {  	v33 =	vsub.f32 v33, v41;
	v50 =	vadd.s32 $0xD, v15;
	v52 =	vld.idx.msk [tilespmem:v56+s8+$0x0], $0xffff;
	v31 =	vadd.f32 v34, v31  }
0x84: {  	v35 =	vld.idx.msk [tilespmem:v38+s8+$0x0], $0xffff;
	v36 =	vsub.f32 v36, v39;
	v56 =	vadd.s32 $0x6, v15;
	v34 =	vadd.f32 v61, v59  }
0x85: {  	v55 =	vld.idx.msk [tilespmem:v60+s8+$0x0], $0xffff;
	v61 =	vadd.s32 $0x10, v15;
	v31 =	vadd.f32 v32, v31;
	v32 =	vshrl.u32 v43, v62  }
0x86: {  	v33 =	vmul.f32 v33, v33;
	v51 =	vmul.f32 v36, v36;
	v62 =	vld.idx.msk [tilespmem:v54+s8+$0x0], $0xffff;
	v32 =	vand.u32 $0x1, v32  }
0x87: {  	v31 =	vadd.f32 v53, v31;
	vm5 =	veq.s32 v32, $0x1;
	v53 =	vld.idx.msk [tilespmem:v60+s7+$0x0], $0xffff;
	v39 =	vsub.f32 v63, v48  }
0x88: {  	v57 =	vld.idx.msk [tilespmem:v50+s7+$0x0], $0xffff;
	v32 =	vsub.f32 v49, v52;
	v48 =	vadd.s32 $0x11, v15;
	vm7 =	vmneg vm5  }
0x89: {  	v59 =	vld.idx.msk [tilespmem:v50+s8+$0x0], $0xffff;
	vm5 =	vmand vm6, vm5;
	v31 =	vadd.f32 v58, v31;
	vm7 =	vmand vm6, vm7  }
0x8a: {  	v60 =	vld.idx.msk [tilespmem:v54+s7+$0x0], $0xffff;
	v24 =	vsel vm5, $0x0, v24;
	v58 =	vadd.s32 $0xF, v15;
	v39 =	vmul.f32 v39, v39  }
0x8b: {  	v42 =	vld.idx.msk [tilespmem:v56+s7+$0x0], $0xffff;
	v32 =	vmul.f32 v32, v32;
	v20 =	vsel vm7, $0x0, v20;
	vm10 =	veq.f32 v24, $0.0e+00  }
0x8c: {  	v38 =	vld.idx.msk [tilespmem:v56+s8+$0x0], $0xffff;
	vm11 =	vgt.f32 v24, $0.0e+00;
	v18 =	vsub.f32 v18, v24;
	v31 =	vadd.f32 v33, v31  }
0x8d: {  	v52 =	vld.idx.msk [tilespmem:v61+s7+$0x0], $0xffff;
	vm5 =	vgt.f32 v20, $0.0e+00;
	vm9 =	veq.f32 v20, $0.0e+00;
	vm7 =	vmand vm4, vm11  }
0x8e: {  	v54 =	vld.idx.msk [tilespmem:v61+s8+$0x0], $0xffff;
	v32 =	vadd.f32 v32, v39;
	v33 =	vsub.f32 v53, v55;
	v53 =	vadd.s32 $0x12, v15  }
0x8f: {  	v16 =	vsub.f32 v16, v20;
	vm6 =	vmand vm9, vm10;
	v49 =	vsub.f32 v57, v59;
	v57 =	vld.idx.msk [tilespmem:v48+s7+$0x0], $0xffff  }
0x90: {  	vm5 =	vmand vm4, vm5;
	v55 =	vadd.s32 $0x13, v15;
	v18 =	vmul.f32 v18, v18;
	v59 =	vld.idx.msk [tilespmem:v48+s8+$0x0], $0xffff  }
0x91: {  	v44 =	vsel vm7, $0x3F800000, v13;
	v36 =	vsub.f32 v60, v62;
	v60 =	vadd.s32 $0x14, v15;
	v63 =	vld.idx.msk [tilespmem:v58+s7+$0x0], $0xffff  }
0x92: {  	v31 =	vadd.f32 v51, v31;
	v33 =	vmul.f32 v33, v33;
	v50 =	vld.idx.msk [tilespmem:v58+s8+$0x0], $0xffff;
	v48 =	vmul.f32 v44, v18  }
0x93: {  	vm4 =	vmand vm4, vm6;
	v37 =	vsel vm5, $0x3F800000, v13;
	v16 =	vmul.f32 v16, v16;
	v62 =	vld.idx.msk [tilespmem:v53+s7+$0x0], $0xffff  }
0x94: {  	v51 =	vadd.f32 v33, v32;
	v5 =	vadd.f32 v48, v5;
	v48 =	vadd.s32 $0x1A, v15;
	v33 =	vld.idx.msk [tilespmem:v53+s8+$0x0], $0xffff  }
0x95: {  	v20 =	vmul.f32 v49, v49;
	v30 =	vmul.f32 v37, v30;
	v49 =	vld.idx.msk [tilespmem:v55+s7+$0x0], $0xffff;
	v53 =	vadd.s32 $0x16, v15  }
0x96: {  	v56 =	vmul.f32 v36, v36;
	v61 =	vmul.f32 v37, v16;
	v32 =	vsub.f32 v52, v54;
	v52 =	vld.idx.msk [tilespmem:v60+s7+$0x0], $0xffff  }
0x97: {  	v54 =	vld.idx.msk [tilespmem:v60+s8+$0x0], $0xffff;
	v20 =	vadd.f32 v20, v51;
	v51 =	vsub.f32 v57, v59;
	v59 =	vadd.s32 $0x18, v15  }
0x98: {  	v41 =	vld.idx.msk [tilespmem:v55+s8+$0x0], $0xffff;
	v57 =	vsel vm4, $0x3F800000, v13;
	v58 =	vsub.f32 v63, v50;
	v63 =	vadd.s32 $0x15, v15  }
0x99: {  	v16 =	vmul.f32 v57, v16;
	v3 =	vadd.f32 v57, v3;
	v18 =	vmul.f32 v57, v18;
	v57 =	vld.idx.msk [tilespmem:v48+s7+$0x0], $0xffff  }
0x9a: {  	v10 =	vadd.f32 v30, v10;
	v50 =	vadd.s32 $0x7, v15;
	v30 =	vmul.f32 v58, v58;
	v58 =	vld.idx.msk [tilespmem:v53+s7+$0x0], $0xffff  }
0x9b: {  	v20 =	vadd.f32 v56, v20;
	v56 =	vadd.s32 $0x17, v15;
	v24 =	vsub.f32 v62, v33;
	v62 =	vld.idx.msk [tilespmem:v53+s8+$0x0], $0xffff  }
0x9c: {  	v60 =	vsub.f32 v52, v54;
	v52 =	vld.idx.msk [tilespmem:v59+s8+$0x0], $0xffff  }
0x9d: {  	v25 =	vsub.f32 v25, v27;
	v26 =	vsub.f32 v26, v28;
	v34 =	vmul.f32 v44, v34;
	v55 =	vld.idx.msk [tilespmem:v63+s7+$0x0], $0xffff  }
0x9e: {  	v32 =	vmul.f32 v32, v32;
	v41 =	vsub.f32 v49, v41;
	v20 =	vadd.f32 v30, v20;
	v40 =	vld.idx.msk [tilespmem:v63+s8+$0x0], $0xffff  }
0x9f: {  	v8 =	vadd.f32 v34, v8;
	v7 =	vadd.f32 v61, v7;
	v34 =	vmul.f32 v51, v51;
	v30 =	vld.idx.msk [tilespmem:v50+s8+$0x0], $0xffff  }
0xa0: {  	v61 =	vmul.f32 v41, v41;
	v41 =	vadd.s32 $0x19, v15;
	v20 =	vadd.f32 v32, v20;
	v63 =	vld.idx.msk [tilespmem:v56+s7+$0x0], $0xffff  }
0xa1: {  	v29 =	vsub.f32 v29, v35;
	v6 =	vadd.f32 v44, v6;
	v47 =	vld.idx.msk [tilespmem:v56+s8+$0x0], $0xffff  }
0xa2: {  	v9 =	vadd.f32 v37, v9;
	v53 =	vadd.s32 $0x1B, v15;
	v20 =	vadd.f32 v34, v20;
	v34 =	vld.idx.msk [tilespmem:v50+s7+$0x0], $0xffff  }
0xa3: {  	v37 =	vmul.f32 v37, v31;
	v31 =	vmul.f32 v44, v31;
	v44 =	vadd.s32 $0x4, v15;
	v50 =	vld.idx.msk [tilespmem:v59+s7+$0x0], $0xffff  }
0xa4: {  	v17 =	vadd.s32 v11, v17;
	v22 =	vsub.f32 v22, v23;
	v51 =	vsub.f32 v58, v62;
	v58 =	vld.idx.msk [tilespmem:v48+s8+$0x0], $0xffff  }
0xa5: {  	v25 =	vmul.f32 v25, v25;
	v24 =	vmul.f32 v24, v24;
	v59 =	vadd.s32 $0x1C, v15;
	v54 =	vld.idx.msk [tilespmem:v41+s7+$0x0], $0xffff  }
0xa6: {  	v26 =	vmul.f32 v26, v26;
	v22 =	vmul.f32 v22, v22;
	v2 =	vadd.f32 v31, v2;
	v31 =	vld.idx.msk [tilespmem:v41+s8+$0x0], $0xffff  }
0xa7: {  	v62 =	vadd.s32 $0x1D, v15;
	v20 =	vadd.f32 v24, v20;
	v24 =	vmul.f32 v60, v60;
	v60 =	vld.idx.msk [tilespmem:v53+s7+$0x0], $0xffff  }
0xa8: {  	v25 =	vadd.f32 v26, v25;
	v0 =	vadd.f32 v18, v0;
	v18 =	vmul.f32 v51, v51;
	v51 =	vld.idx.msk [tilespmem:v44+s8+$0x0], $0xffff  }
0xa9: {  	v46 =	vsub.f32 v55, v40;
	v55 =	vadd.s32 $0x8, v15;
	v20 =	vadd.f32 v61, v20;
	v61 =	vld.idx.msk [tilespmem:v53+s8+$0x0], $0xffff  }
0xaa: {  	v19 =	vsub.f32 v19, v21;
	v29 =	vmul.f32 v29, v29;
	v56 =	vsub.f32 v42, v38;
	v42 =	vld.idx.msk [tilespmem:v59+s7+$0x0], $0xffff  }
0xab: {  	v39 =	vshrl.u32 v17, $0x5;
	v22 =	vadd.f32 v22, v25;
	v4 =	vadd.f32 v37, v4;
	v45 =	vld.idx.msk [tilespmem:v59+s8+$0x0], $0xffff  }
0xac: {  	v1 =	vadd.f32 v16, v1;
	v33 =	vmul.f32 v56, v56;
	v49 =	vmul.f32 v46, v46;
	v46 =	vld.idx.msk [tilespmem:v62+s7+$0x0], $0xffff  }
0xad: {  	vm13 =	vlt.u32 v14, $0xC4;
	v16 =	vsub.f32 v63, v47;
	v43 =	vsub.f32 v34, v30;
	v47 =	vld.idx.msk [tilespmem:v62+s8+$0x0], $0xffff  }
0xae: {  	v17 =	vand.u32 $0x1F, v17;
	v41 =	vadd.f32 v33, v29;
	v20 =	vadd.f32 v24, v20;
	v63 =	vld.idx.msk [tilespmem:v55+s7+$0x0], $0xffff  }
0xaf: {  	v15 =	vadd.s32 $0x9, v15;
	v27 =	vsub.f32 v50, v52;
	v40 =	vld.idx.msk [tilespmem:v55+s8+$0x0], $0xffff;
	v28 =	vmul.f32 v43, v43  }
0xb0: {  	v16 =	vmul.f32 v16, v16;
	v24 =	vsub.f32 v54, v31;
	v31 =	vld.idx.msk [tilespmem:v39+s9+$0x0], $0xffff;
	v20 =	vadd.f32 v49, v20  }
0xb1: {  	v52 =	vmul.f32 v19, v19;
	v27 =	vmul.f32 v27, v27;
	v48 =	vadd.f32 v28, v41  }
0xb2: {  	vm5 =	vgt.f32 v51, $0.0e+00;
	v18 =	vadd.f32 v18, v20;
	v20 =	vsub.f32 v57, v58  }
0xb3: {  	v24 =	vmul.f32 v24, v24;
	v50 =	vsub.f32 v42, v45;
	v21 =	vsub.f32 v46, v47  }
0xb4: {  	v54 =	vld.idx.msk [tilespmem:v15+s8+$0x0], $0xffff;
	v16 =	vadd.f32 v16, v18;
	v18 =	vsub.f32 v60, v61;
	v20 =	vmul.f32 v20, v20  }
0xb5: {  	v49 =	vsub.f32 v63, v40;
	v17 =	vshrl.u32 v31, v17;
	v23 =	vmul.f32 v50, v50  }
0xb6: {  	v15 =	vld.idx.msk [tilespmem:v15+s7+$0x0], $0xffff;
	v56 =	vmul.f32 v21, v21;
	v17 =	vand.u32 $0x1, v17;
	v16 =	vadd.f32 v27, v16  }
0xb7: {  	v18 =	vmul.f32 v18, v18;
	v53 =	vmul.f32 v49, v49;
	vm4 =	veq.s32 v17, $0x1  }
0xb8: {  	vm12 =	vmneg vm4;
	vm4 =	vmand vm5, vm4;
	v16 =	vadd.f32 v24, v16  }
0xb9: {  	v19 =	vadd.f32 v53, v48;
	vm6 =	vmand vm5, vm12;
	v58 =	vsel vm4, $0x0, v54  }
0xba: {  	v57 =	vsel vm6, $0x0, v51;
	vm14 =	veq.f32 v58, $0.0e+00;
	vm15 =	vgt.f32 v58, $0.0e+00  }
0xbb: {  	v15 =	vsub.f32 v15, v58;
	v16 =	vadd.f32 v20, v16;
	vm4 =	vgt.f32 v57, $0.0e+00  }
0xbc: {  	v55 =	vld.idx.msk [tilespmem:v44+s7+$0x0], $0xffff;
	vm5 =	veq.f32 v57, $0.0e+00;
	vm6 =	vmand vm13, vm15;
	vm4 =	vmand vm13, vm4  }
0xbd: {  	vm5 =	vmand vm5, vm14;
	v60 =	vsel vm6, $0x3F800000, v13;
	v16 =	vadd.f32 v18, v16  }
0xbe: {  	v15 =	vmul.f32 v15, v15;
	v18 =	vadd.f32 v52, v22;
	v59 =	vsel vm4, $0x3F800000, v13  }
0xbf: {  	vm4 =	vmand vm13, vm5;
	v19 =	vmul.f32 v60, v19;
	v16 =	vadd.f32 v23, v16  }
0xc0: {  	v6 =	vadd.f32 v60, v6;
	v61 =	vsel vm4, $0x3F800000, v13;
	v9 =	vadd.f32 v59, v9  }
0xc1: {  	s10 =	sadd.s32 $0x2, s10;
	v63 =	vmul.f32 v60, v15;
	v14 =	vadd.f32 v56, v16;
	v16 =	vsub.f32 v55, v57  }
0xc2: {  	p0 =	slt.u32 s10, $0xA;
	v18 =	vmul.f32 v59, v18;
	v3 =	vadd.f32 v61, v3;
	v8 =	vadd.f32 v19, v8  }
.Ltmp0:
0xc3: {  	v15 =	vmul.f32 v61, v15;
	v5 =	vadd.f32 v63, v5;
	v16 =	vmul.f32 v16, v16;
	(pc) =	sbr.rel @p0 .LBB2_1-.Ltmp0, $4  }
0xc4: {  	v10 =	vadd.f32 v18, v10;
	v17 =	vmul.f32 v59, v14;
	v14 =	vmul.f32 v60, v14  }
0xc5: {  	v0 =	vadd.f32 v15, v0;
	v62 =	vmul.f32 v59, v16;
	v16 =	vmul.f32 v61, v16  }
0xc6: {  	v4 =	vadd.f32 v17, v4;
	v2 =	vadd.f32 v14, v2  }
0xc7: {  	s11 =	sadd.s32 $0x20, s11;
	v7 =	vadd.f32 v62, v7;
	v1 =	vadd.f32 v16, v1  }
0xc8: {  	v12 =	vimm.s32 $0x16DA  }
0xc9: {  	v12 =	vsel vm0, $0x1680, v12  }
0xca: {  	v13 =	vimm.s32 $0x16DB;
	v12 =	vsel vm3, $0x169E, v12  }
0xcb: {  	v14 =	vimm.s32 $0x16DC;
	v13 =	vsel vm0, $0x1681, v13;
	v12 =	vsel vm2, $0x16BC, v12  }
0xcc: {  	v17 =	vimm.s32 $0x16DD;
	v18 =	vimm.s32 $0x16E4;
	v13 =	vsel vm3, $0x169F, v13  }
0xcd: {  	v20 =	vimm.s32 $0xC3C2C1C0;
	v14 =	vsel vm0, $0x1682, v14;
	v13 =	vsel vm2, $0x16BD, v13  }
0xce: {  	v21 =	vimm.s32 $0x16E5;
	v40 =	vimm.s32 $0x16E6;
	v14 =	vsel vm3, $0x16A0, v14  }
0xcf: {  	s7 =	simm.s32 $0x0;
	v42 =	vimm.s32 $0x16E7;
	v17 =	vsel vm0, $0x1683, v17;
	v14 =	vsel vm2, $0x16BE, v14  }
0xd0: {  	s8 =	simm.s32 $0x1700;
	vm4 =	vcmask $0xF00;
	v23 =	vimm.s32 $0x16E8;
	v17 =	vsel vm3, $0x16A1, v17;
	v15 =	vld.idx.msk [tilespmem:v12+s7+$0x0], $0xffff  }
0xd1: {  	v50 =	vimm.s32 $0x16DF;
	v18 =	vsel vm0, $0x168A, v18;
	v17 =	vsel vm2, $0x16BF, v17;
	v12 =	vld.idx.msk [tilespmem:v12+s8+$0x0], $0xffff  }
0xd2: {  	v52 =	vimm.s32 $0x16E9;
	v55 =	vimm.s32 $0x16EA;
	v18 =	vsel vm3, $0x16A8, v18;
	v16 =	vld.idx.msk [tilespmem:v13+s7+$0x0], $0xffff  }
0xd3: {  	v49 =	vsel vm0, $0x168E, v23;
	v23 =	vsel vm0, $0x168F, v52;
	v37 =	vsel vm2, $0x16C6, v18;
	v13 =	vld.idx.msk [tilespmem:v13+s8+$0x0], $0xffff  }
0xd4: {  	v24 =	vimm.s32 $0x16E0;
	v25 =	vimm.s32 $0x16EB;
	v23 =	vsel vm3, $0x16AD, v23;
	v19 =	vld.idx.msk [tilespmem:v14+s7+$0x0], $0xffff  }
0xd5: {  	v60 =	vimm.s32 $0x16EC;
	v18 =	vsel vm0, $0x168C, v40;
	v54 =	vsel vm2, $0x16CB, v23;
	v14 =	vld.idx.msk [tilespmem:v14+s8+$0x0], $0xffff  }
0xd6: {  	v26 =	vimm.s32 $0x16E1;
	v38 =	vsel vm0, $0x168B, v21;
	v18 =	vsel vm3, $0x16AA, v18;
	v41 =	vld.idx.msk [tilespmem:v17+s7+$0x0], $0xffff  }
0xd7: {  	v20 =	vunpack.c.0.s8.s32 v20;
	v39 =	vsel vm3, $0x16A9, v38;
	v18 =	vsel vm2, $0x16C8, v18;
	v17 =	vld.idx.msk [tilespmem:v17+s8+$0x0], $0xffff  }
0xd8: {  	v29 =	vimm.s32 $0x16ED;
	v22 =	vld.idx.msk [tilespmem:v37+s7+$0x0], $0xffff;
	v13 =	vsub.f32 v16, v13;
	v16 =	vsel vm2, $0x16C7, v39  }
0xd9: {  	v33 =	vimm.s32 $0x16EE;
	v20 =	vand.u32 $0xFF, v20;
	v23 =	vsel vm0, $0x1690, v55;
	v44 =	vld.idx.msk [tilespmem:v37+s8+$0x0], $0xffff  }
0xda: {  	v23 =	vsel vm3, $0x16AE, v23;
	v59 =	vld.idx.msk [tilespmem:v54+s7+$0x0], $0xffff;
	v14 =	vsub.f32 v19, v14;
	v19 =	vsel vm0, $0x168D, v42  }
0xdb: {  	v46 =	vnsel vm4, $0xC3, v20;
	v23 =	vsel vm2, $0x16CC, v23;
	v20 =	vld.idx.msk [tilespmem:v54+s8+$0x0], $0xffff;
	v45 =	vsel vm3, $0x16AB, v19  }
0xdc: {  	v28 =	vimm.s32 $0x16E2;
	v51 =	vld.idx.msk [tilespmem:v18+s7+$0x0], $0xffff;
	v12 =	vsub.f32 v15, v12;
	v15 =	vsel vm2, $0x16C9, v45  }
0xdd: {  	v24 =	vsel vm0, $0x1686, v24;
	v58 =	vsel vm0, $0x1691, v25;
	v25 =	vsel vm0, $0x1692, v60;
	v47 =	vld.idx.msk [tilespmem:v16+s7+$0x0], $0xffff  }
0xde: {  	v26 =	vsel vm0, $0x1687, v26;
	v62 =	vsel vm3, $0x16B0, v25;
	v48 =	vld.idx.msk [tilespmem:v16+s8+$0x0], $0xffff;
	v16 =	vsel vm3, $0x16AC, v49  }
0xdf: {  	v24 =	vsel vm3, $0x16A4, v24;
	v25 =	vsel vm0, $0x1693, v29;
	v18 =	vld.idx.msk [tilespmem:v18+s8+$0x0], $0xffff;
	v16 =	vsel vm2, $0x16CA, v16  }
0xe0: {  	v26 =	vsel vm3, $0x16A5, v26;
	v31 =	vsel vm3, $0x16B1, v25;
	v25 =	vsel vm0, $0x1694, v33;
	v63 =	vld.idx.msk [tilespmem:v23+s7+$0x0], $0xffff  }
0xe1: {  	v24 =	vsel vm2, $0x16C2, v24;
	v55 =	vimm.s32 $0x16F3;
	v25 =	vsel vm3, $0x16B2, v25;
	v53 =	vld.idx.msk [tilespmem:v15+s7+$0x0], $0xffff  }
0xe2: {  	v33 =	vimm.s32 $0x16F6;
	v11 =	vadd.s32 v46, v11;
	v36 =	vsel vm2, $0x16D0, v25;
	v15 =	vld.idx.msk [tilespmem:v15+s8+$0x0], $0xffff  }
0xe3: {  	v37 =	vimm.s32 $0x16EF;
	v23 =	vld.idx.msk [tilespmem:v23+s8+$0x0], $0xffff;
	v12 =	vmul.f32 v12, v12;
	v13 =	vmul.f32 v13, v13  }
0xe4: {  	v25 =	vsel vm0, $0x1695, v37;
	v37 =	vimm.s32 $0x16F7;
	v18 =	vsub.f32 v51, v18;
	v56 =	vld.idx.msk [tilespmem:v16+s7+$0x0], $0xffff  }
0xe5: {  	v43 =	vmul.f32 v14, v14;
	v14 =	vsub.f32 v22, v44;
	v12 =	vadd.f32 v13, v12;
	v16 =	vld.idx.msk [tilespmem:v16+s8+$0x0], $0xffff  }
0xe6: {  	v57 =	vmul.f32 v18, v18;
	v18 =	vsel vm3, $0x16AF, v58;
	v13 =	vsub.f32 v47, v48  }
0xe7: {  	v17 =	vsub.f32 v41, v17;
	v18 =	vsel vm2, $0x16CD, v18;
	v15 =	vsub.f32 v53, v15  }
0xe8: {  	v46 =	vld.idx.msk [tilespmem:v36+s7+$0x0], $0xffff;
	v20 =	vsub.f32 v59, v20;
	v14 =	vmul.f32 v14, v14;
	v13 =	vmul.f32 v13, v13  }
0xe9: {  	v21 =	vsub.f32 v63, v23;
	v44 =	vld.idx.msk [tilespmem:v24+s7+$0x0], $0xffff;
	v61 =	vmul.f32 v15, v15;
	v15 =	vsel vm2, $0x16CE, v62  }
0xea: {  	v25 =	vsel vm3, $0x16B3, v25;
	v23 =	vld.idx.msk [tilespmem:v36+s8+$0x0], $0xffff;
	v13 =	vadd.f32 v13, v14;
	v16 =	vsub.f32 v56, v16  }
0xeb: {  	v39 =	vsel vm2, $0x16C3, v26;
	v42 =	vsel vm2, $0x16D1, v25;
	v19 =	vsel vm0, $0x1685, v50;
	v24 =	vld.idx.msk [tilespmem:v24+s8+$0x0], $0xffff  }
0xec: {  	v32 =	vld.idx.msk [tilespmem:v18+s7+$0x0], $0xffff;
	v13 =	vadd.f32 v57, v13;
	v30 =	vmul.f32 v16, v16;
	v16 =	vsel vm2, $0x16CF, v31  }
0xed: {  	v17 =	vmul.f32 v17, v17;
	v19 =	vsel vm3, $0x16A3, v19;
	v34 =	vmul.f32 v20, v20;
	v18 =	vld.idx.msk [tilespmem:v18+s8+$0x0], $0xffff  }
0xee: {  	v51 =	vimm.s32 $0x16F2;
	v19 =	vsel vm2, $0x16C1, v19;
	v13 =	vadd.f32 v61, v13;
	v35 =	vld.idx.msk [tilespmem:v15+s7+$0x0], $0xffff  }
0xef: {  	v40 =	vmul.f32 v21, v21;
	v12 =	vadd.f32 v43, v12;
	v43 =	vimm.s32 $0x16F0;
	v15 =	vld.idx.msk [tilespmem:v15+s8+$0x0], $0xffff  }
0xf0: {  	v50 =	vld.idx.msk [tilespmem:v42+s7+$0x0], $0xffff;
	v45 =	vsel vm0, $0x1696, v43;
	v20 =	vsub.f32 v46, v23;
	v13 =	vadd.f32 v30, v13  }
0xf1: {  	v24 =	vsub.f32 v44, v24;
	v23 =	vsel vm0, $0x169C, v33;
	v47 =	vsel vm0, $0x1688, v28;
	v41 =	vld.idx.msk [tilespmem:v16+s7+$0x0], $0xffff  }
0xf2: {  	v25 =	vsel vm3, $0x16A6, v47;
	v18 =	vsub.f32 v32, v18;
	v13 =	vadd.f32 v34, v13;
	v16 =	vld.idx.msk [tilespmem:v16+s8+$0x0], $0xffff  }
0xf3: {  	v22 =	vld.idx.msk [tilespmem:v42+s8+$0x0], $0xffff;
	v48 =	vimm.s32 $0x16F1;
	v25 =	vsel vm2, $0x16C4, v25;
	v14 =	vsel vm3, $0x16B4, v45  }
0xf4: {  	v29 =	vld.idx.msk [tilespmem:v39+s7+$0x0], $0xffff;
	v18 =	vmul.f32 v18, v18;
	v13 =	vadd.f32 v40, v13;
	v15 =	vsub.f32 v35, v15  }
0xf5: {  	v27 =	vld.idx.msk [tilespmem:v19+s7+$0x0], $0xffff;
	v12 =	vadd.f32 v17, v12;
	v49 =	vsel vm0, $0x1697, v48;
	v14 =	vsel vm2, $0x16D2, v14  }
0xf6: {  	v38 =	vld.idx.msk [tilespmem:v19+s8+$0x0], $0xffff;
	v13 =	vadd.f32 v18, v13;
	v15 =	vmul.f32 v15, v15;
	v18 =	vsel vm3, $0x16B5, v49  }
0xf7: {  	v19 =	vld.idx.msk [tilespmem:v39+s8+$0x0], $0xffff;
	v56 =	vsel vm0, $0x1699, v55;
	v18 =	vsel vm2, $0x16D3, v18;
	v16 =	vsub.f32 v41, v16  }
0xf8: {  	v20 =	vmul.f32 v20, v20;
	v63 =	vld.idx.msk [tilespmem:v25+s7+$0x0], $0xffff;
	v13 =	vadd.f32 v15, v13;
	v15 =	vsel vm3, $0x16B7, v56  }
0xf9: {  	v28 =	vsel vm0, $0x1698, v51;
	v25 =	vld.idx.msk [tilespmem:v25+s8+$0x0], $0xffff;
	v15 =	vsel vm2, $0x16D5, v15;
	v52 =	vmul.f32 v16, v16  }
0xfa: {  	v21 =	vsub.f32 v50, v22;
	v53 =	vsel vm3, $0x16B6, v28;
	v57 =	vimm.s32 $0x16F4;
	v54 =	vld.idx.msk [tilespmem:v14+s7+$0x0], $0xffff  }
0xfb: {  	v28 =	vsel vm0, $0x169A, v57;
	v14 =	vld.idx.msk [tilespmem:v14+s8+$0x0], $0xffff;
	v16 =	vsel vm2, $0x16D4, v53;
	v13 =	vadd.f32 v52, v13  }
0xfc: {  	v24 =	vmul.f32 v24, v24;
	v21 =	vmul.f32 v21, v21;
	v59 =	vsel vm3, $0x16B8, v28;
	v58 =	vld.idx.msk [tilespmem:v18+s7+$0x0], $0xffff  }
0xfd: {  	v30 =	vimm.s32 $0x16DE;
	v18 =	vld.idx.msk [tilespmem:v18+s8+$0x0], $0xffff;
	v13 =	vadd.f32 v20, v13;
	v20 =	vsel vm2, $0x16D6, v59  }
0xfe: {  	v17 =	vsub.f32 v27, v38;
	v61 =	vimm.s32 $0x16F5;
	v30 =	vsel vm0, $0x1684, v30;
	v34 =	vld.idx.msk [tilespmem:v15+s7+$0x0], $0xffff  }
0xff: {  	v38 =	vshrl.u32 v11, $0x5;
	v62 =	vsel vm0, $0x169B, v61;
	v30 =	vsel vm3, $0x16A2, v30;
	v15 =	vld.idx.msk [tilespmem:v15+s8+$0x0], $0xffff  }
0x100: {  	v19 =	vsub.f32 v29, v19;
	v32 =	vsel vm3, $0x16B9, v62;
	v30 =	vsel vm2, $0x16C0, v30;
	v60 =	vld.idx.msk [tilespmem:v16+s7+$0x0], $0xffff  }
0x101: {  	v14 =	vsub.f32 v54, v14;
	v16 =	vld.idx.msk [tilespmem:v16+s8+$0x0], $0xffff;
	v13 =	vadd.f32 v21, v13;
	v21 =	vsel vm2, $0x16D7, v32  }
0x102: {  	v11 =	vand.u32 $0x1F, v11;
	v17 =	vmul.f32 v17, v17;
	v35 =	vsel vm3, $0x16BA, v23;
	v36 =	vld.idx.msk [tilespmem:v20+s7+$0x0], $0xffff  }
0x103: {  	s9 =	simm.s32 $0x2E00;
	v22 =	vsel vm2, $0x16D8, v35;
	v14 =	vmul.f32 v14, v14;
	v18 =	vsub.f32 v58, v18;
	v20 =	vld.idx.msk [tilespmem:v20+s8+$0x0], $0xffff  }
0x104: {  	v19 =	vmul.f32 v19, v19;
	v27 =	vld.idx.msk [tilespmem:v38+s9+$0x0], $0xffff;
	v23 =	vsel vm0, $0x169D, v37;
	v40 =	vimm.s32 $0x16E3  }
0x105: {  	v23 =	vsel vm3, $0x16BB, v23;
	v46 =	vld.idx.msk [tilespmem:v30+s8+$0x0], $0xffff;
	v13 =	vadd.f32 v14, v13;
	v18 =	vmul.f32 v18, v18  }
0x106: {  	v28 =	vsel vm0, $0x1689, v40;
	v23 =	vsel vm2, $0x16D9, v23;
	v16 =	vsub.f32 v60, v16;
	v39 =	vld.idx.msk [tilespmem:v21+s7+$0x0], $0xffff  }
0x107: {  	v42 =	vsel vm3, $0x16A7, v28;
	v15 =	vsub.f32 v34, v15;
	v13 =	vadd.f32 v18, v13;
	v21 =	vld.idx.msk [tilespmem:v21+s8+$0x0], $0xffff  }
0x108: {  	v41 =	vld.idx.msk [tilespmem:v22+s7+$0x0], $0xffff;
	v16 =	vmul.f32 v16, v16;
	v14 =	vsub.f32 v36, v20;
	v20 =	vsel vm2, $0x16C5, v42  }
0x109: {  	v17 =	vadd.f32 v24, v17;
	v45 =	vsub.f32 v63, v25;
	v11 =	vshrl.u32 v27, v11;
	v22 =	vld.idx.msk [tilespmem:v22+s8+$0x0], $0xffff  }
0x10a: {  	v11 =	vand.u32 $0x1, v11;
	v15 =	vmul.f32 v15, v15;
	v13 =	vadd.f32 v16, v13  }
0x10b: {  	v17 =	vadd.f32 v19, v17;
	v47 =	vmul.f32 v45, v45;
	vm3 =	veq.s32 v11, $0x1;
	v43 =	vld.idx.msk [tilespmem:v23+s7+$0x0], $0xffff  }
0x10c: {  	v44 =	vld.idx.msk [tilespmem:v23+s8+$0x0], $0xffff;
	v13 =	vadd.f32 v15, v13;
	v14 =	vmul.f32 v14, v14;
	v18 =	vsub.f32 v39, v21  }
0x10d: {  	v11 =	vimm.f32 $0.0e+00;
	vm6 =	vmneg vm3;
	vm5 =	vgt.f32 v46, $0.0e+00;
	v48 =	vld.idx.msk [tilespmem:v20+s8+$0x0], $0xffff  }
0x10e: {  	v49 =	vld.idx.msk [tilespmem:v30+s7+$0x0], $0xffff;
	v16 =	vsub.f32 v41, v22;
	v13 =	vadd.f32 v14, v13;
	v18 =	vmul.f32 v18, v18  }
0x10f: {  	v17 =	vadd.f32 v47, v17;
	v52 =	vsel vm4, $0x3F800000, v11;
	vm6 =	vmand vm5, vm6;
	v50 =	vld.idx.msk [tilespmem:v20+s7+$0x0], $0xffff  }
0x110: {  	v16 =	vmul.f32 v16, v16;
	v14 =	vsel vm6, $0x0, v46;
	v13 =	vadd.f32 v18, v13  }
0x111: {  	vm3 =	vmand vm5, vm3;
	v15 =	vsub.f32 v43, v44;
	vm5 =	veq.f32 v14, $0.0e+00  }
0x112: {  	v13 =	vadd.f32 v16, v13;
	v51 =	vsel vm3, $0x0, v48;
	vm3 =	vgt.f32 v14, $0.0e+00  }
0x113: {  	v14 =	vsub.f32 v49, v14;
	vm4 =	vgt.f32 v51, $0.0e+00;
	vm6 =	veq.f32 v51, $0.0e+00  }
0x114: {  	v53 =	vnsel vm3, $0x0, v52;
	v16 =	vsub.f32 v50, v51;
	v54 =	vnsel vm4, $0x0, v52  }
0x115: {  	vm3 =	vmand vm5, vm6;
	v9 =	vadd.f32 v53, v9;
	v14 =	vmul.f32 v14, v14  }
0x116: {  	v12 =	vmul.f32 v53, v12;
	v20 =	vnsel vm3, $0x0, v52;
	v6 =	vadd.f32 v54, v6  }
0x117: {  	v15 =	vmul.f32 v15, v15;
	v17 =	vmul.f32 v54, v17;
	v3 =	vadd.f32 v20, v3;
	(xrf2) =	vadd.scan.msk.f32 $0xffff, v9  }
0x118: {  	v16 =	vmul.f32 v16, v16;
	v9 =	vadd.f32 v12, v10;
	v10 =	vmul.f32 v14, v53;
	(xrf2) =	vadd.scan.msk.f32 $0xffff, v6  }
0x119: {  	v55 =	vadd.f32 v15, v13;
	v8 =	vadd.f32 v17, v8;
	(xrf2) =	vadd.scan.msk.f32 $0xffff, v3  }
0x11a: {  	v56 =	vmul.f32 v16, v54;
	v3 =	vadd.f32 v10, v7;
	(xrf2) =	vadd.scan.msk.f32 $0xffff, v9  }
0x11b: {  	v6 =	vmul.f32 v54, v55;
	(xrf2) =	vadd.scan.msk.f32 $0xffff, v8  }
0x11c: {  	v57 =	vmul.f32 v53, v55;
	v5 =	vadd.f32 v56, v5;
	(xrf2) =	vadd.scan.msk.f32 $0xffff, v3  }
0x11d: {  	v59 =	vmul.f32 v20, v16;
	v2 =	vadd.f32 v6, v2  }
0x11e: {  	v58 =	vmul.f32 v20, v14;
	v3 =	vadd.f32 v57, v4;
	(xrf2) =	vadd.scan.msk.f32 $0xffff, v5  }
0x11f: {  	v0 =	vadd.f32 v59, v0  }
0x120: {  	v1 =	vadd.f32 v58, v1;
	(xrf2) =	vadd.scan.msk.f32 $0xffff, v3  }
0x121: {  	(xrf2) =	vadd.scan.msk.f32 $0xffff, v2;
	v2, _, _ =	vpop (xrf2)  }
0x122: {  	(xrf2) =	vadd.scan.msk.f32 $0xffff, v1;
	v1 =	vbroadcast v2, $0xF;
	v2, _, _ =	vpop (xrf2)  }
0x123: {  	vm3 =	vmmov $0x1;
	(xrf2) =	vadd.scan.msk.f32 $0xffff, v0;
	v0, _, _ =	vpop (xrf2);
	v2 =	vbroadcast v2, $0xF  }
0x124: {  	vm4 =	vcmask $0x32C;
	v3, _, _ =	vpop (xrf2);
	v1 =	vnsel vm3, $0x0, v1;
	v0 =	vbroadcast v0, $0xF  }
0x125: {  	v60, _, _ =	vpop (xrf2);
	v1 =	vsel vm4, v1, v2;
	vm4 =	vcmask $0x72C;
	v2 =	vbroadcast v3, $0xF  }
0x126: {  	v3, _, _ =	vpop (xrf2);
	v0 =	vsel vm4, v1, v0;
	vm4 =	vcmask $0xB2C  }
0x127: {  	v1 =	vbroadcast v60, $0xF;
	v0 =	vsel vm4, v0, v2;
	v2 =	vbroadcast v3, $0xF  }
0x128: {  	v61, _, _ =	vpop (xrf2);
	vm4 =	vcmask $0xF2C  }
0x129: {  	v0 =	vsel vm4, v0, v1;
	vm4 =	vcmask $0x132C;
	v1 =	vbroadcast v61, $0xF  }
0x12a: {  	v3, _, _ =	vpop (xrf2);
	v0 =	vsel vm4, v0, v2;
	vm4 =	vcmask $0x172C  }
0x12b: {  	v3 =	vbroadcast v3, $0xF;
	v1 =	vsel vm4, v0, v1;
	v2, _, _ =	vpop (xrf2)  }
0x12c: {  	vm4 =	vcmask $0x1B2C;
	v0 =	vlaneseq.u32;
	v62, _, _ =	vpop (xrf2);
	v2 =	vbroadcast v2, $0xF  }
0x12d: {  	v1 =	vsel vm4, v1, v3;
	vm4 =	vcmask $0x1F2C;
	v3 =	vbroadcast v62, $0xF;
	v63, _, _ =	vpop (xrf2)  }
0x12e: {  	v1 =	vsel vm4, v1, v2;
	vm4 =	vcmask $0x232C;
	v2 =	vbroadcast v63, $0xF  }
0x12f: {  	v1 =	vsel vm4, v1, v3;
	vm4 =	vcmask $0x272C  }
0x130: {  	s30 =	sshll.u32 s6, $0x4;
	s31 =	simm.s32 $0x2E80;
	v1 =	vsel vm4, v1, v2  }
0x131: {  	s8 =	sadd.s32 s30, s5;
	[tilespmem:v0+s31+$0x0] =	vst.idx.msk $0xffff, v1  }
0x132: {  	[spmem:s8] =	stream.linear.scatter [tilespmem:s31], [sflag:$0x3], $0x10, $0x38;
	[tilespmem:$0x3090] =	vst v63  }
0x133: {  	s8 =	simm.s32 $0x3  }
0x134: {  	_ =	swait.ge [sflag:s8], $0x10  }
0x135: {  	[sflag:s8] =	ssyncset.done $0x0  }
0x136: {  	[sflag:s8] =	ssyncadd.s32 $0xFFFFFFF0  }
0x137: {  	p0 =	sne.s32 s6, $0x0;
	[bflag:$0x0] =	sbarrier.arrive $0xFFFF  }
0x138: {  	_ =	sfence.sel @p0 $0x180000  }
0x139: {  	[bflag:$0x0] =	sbarrier.arrive @p0 $0xFFFF  }
0x13a: {  	_ =	strace @p0 $0x90000047  }
0x13b: {  	[bflag:$0x2] =	sbarrier.arrive @p0 $0xFFFF  }
0x13c: {  	_ =	shalt @p0  }
.LBB2_3:
0x13d: {  	s6 =	simm.s32 $0x2F10  }
0x13e: {  	[tilespmem:s6], [sflag:$0x3] =	stream.linear.gather [spmem:s5], $0x100, $0x38;
	[tilespmem:$0x3090] =	vst v63  }
0x13f: {  	v1 =	vor.u32 $0x10, v0;
	_ =	swait.ge [sflag:s8], $0x100  }
0x140: {  	[sflag:s8] =	ssyncset.done $0x0  }
0x141: {  	v2 =	vor.u32 $0x20, v0;
	[sflag:s8] =	ssyncadd.s32 $0xFFFFFF00  }
0x142: {  	v3 =	vld.idx.msk [tilespmem:v0+s6+$0x0], $0xffff  }
0x143: {  	v4 =	vor.u32 $0x30, v0  }
0x144: {  	v1 =	vld.idx.msk [tilespmem:v1+s6+$0x0], $0xffff  }
0x145: {  	v5 =	vor.u32 $0x40, v0  }
0x146: {  	v2 =	vld.idx.msk [tilespmem:v2+s6+$0x0], $0xffff  }
0x147: {  	v6 =	vor.u32 $0x50, v0;
	v3 =	vadd.f32 $0.0e+00, v3  }
0x148: {  	v4 =	vld.idx.msk [tilespmem:v4+s6+$0x0], $0xffff  }
0x149: {  	v26 =	vor.u32 $0x60, v0;
	v1 =	vadd.f32 v1, v3  }
0x14a: {  	v5 =	vld.idx.msk [tilespmem:v5+s6+$0x0], $0xffff  }
0x14b: {  	v27 =	vor.u32 $0x70, v0;
	v1 =	vadd.f32 v2, v1  }
0x14c: {  	v6 =	vld.idx.msk [tilespmem:v6+s6+$0x0], $0xffff  }
0x14d: {  	v28 =	vor.u32 $0x80, v0;
	v1 =	vadd.f32 v4, v1  }
0x14e: {  	v3 =	vld.idx.msk [tilespmem:v26+s6+$0x0], $0xffff  }
0x14f: {  	v29 =	vor.u32 $0x90, v0;
	v1 =	vadd.f32 v5, v1  }
0x150: {  	v2 =	vld.idx.msk [tilespmem:v27+s6+$0x0], $0xffff  }
0x151: {  	v30 =	vor.u32 $0xA0, v0;
	v1 =	vadd.f32 v6, v1  }
0x152: {  	v4 =	vld.idx.msk [tilespmem:v28+s6+$0x0], $0xffff  }
0x153: {  	v31 =	vor.u32 $0xB0, v0;
	v1 =	vadd.f32 v3, v1  }
0x154: {  	v5 =	vld.idx.msk [tilespmem:v29+s6+$0x0], $0xffff  }
0x155: {  	v32 =	vor.u32 $0xC0, v0;
	v1 =	vadd.f32 v2, v1  }
0x156: {  	v6 =	vld.idx.msk [tilespmem:v30+s6+$0x0], $0xffff  }
0x157: {  	v33 =	vor.u32 $0xD0, v0;
	v1 =	vadd.f32 v4, v1  }
0x158: {  	v3 =	vld.idx.msk [tilespmem:v31+s6+$0x0], $0xffff  }
0x159: {  	v34 =	vor.u32 $0xE0, v0;
	v1 =	vadd.f32 v5, v1  }
0x15a: {  	v2 =	vld.idx.msk [tilespmem:v32+s6+$0x0], $0xffff  }
0x15b: {  	v35 =	vor.u32 $0xF0, v0;
	v1 =	vadd.f32 v6, v1  }
0x15c: {  	v4 =	vld.idx.msk [tilespmem:v33+s6+$0x0], $0xffff  }
0x15d: {  	v1 =	vadd.f32 v3, v1  }
0x15e: {  	v36 =	vld.idx.msk [tilespmem:v34+s6+$0x0], $0xffff  }
0x15f: {  	v1 =	vadd.f32 v2, v1  }
0x160: {  	v37 =	vld.idx.msk [tilespmem:v35+s6+$0x0], $0xffff  }
0x161: {  	v1 =	vadd.f32 v4, v1;
	_ =	sdelay $0x1  }
0x162: {  	v1 =	vadd.f32 v36, v1;
	_ =	sdelay $0x1  }
0x163: {  	v1 =	vadd.f32 v37, v1;
	_ =	sdelay $0x1  }
0x164: {  	vm11 =	vcmask $0x308;
	v2 =	vnsel vm3, $0x0, v1  }
0x165: {  	vm12 =	vcmask $0x70C;
	v38 =	vsel vm11, $0x0, v1;
	(xrf2) =	vadd.scan.msk.f32 $0xffff, v2  }
0x166: {  	vm13 =	vcmask $0xB10;
	v39 =	vsel vm12, $0x0, v1;
	(xrf2) =	vadd.scan.msk.f32 $0xffff, v38  }
0x167: {  	vm14 =	vcmask $0xF14;
	v40 =	vsel vm13, $0x0, v1;
	(xrf2) =	vadd.scan.msk.f32 $0xffff, v39  }
0x168: {  	vm15 =	vcmask $0x1318;
	v41 =	vsel vm14, $0x0, v1;
	(xrf2) =	vadd.scan.msk.f32 $0xffff, v40  }
0x169: {  	vm6 =	vcmask $0x171C;
	v42 =	vsel vm15, $0x0, v1;
	(xrf2) =	vadd.scan.msk.f32 $0xffff, v41  }
0x16a: {  	vm7 =	vcmask $0x1B20;
	v43 =	vsel vm6, $0x0, v1;
	(xrf2) =	vadd.scan.msk.f32 $0xffff, v42  }
0x16b: {  	vm8 =	vcmask $0x1F24;
	v44 =	vsel vm7, $0x0, v1;
	(xrf2) =	vadd.scan.msk.f32 $0xffff, v43  }
0x16c: {  	vm9 =	vcmask $0x2328;
	v45 =	vsel vm8, $0x0, v1;
	(xrf2) =	vadd.scan.msk.f32 $0xffff, v44  }
0x16d: {  	v46 =	vsel vm9, $0x0, v1;
	(xrf2) =	vadd.scan.msk.f32 $0xffff, v45  }
0x16e: {  	v1 =	vsel vm4, $0x0, v1;
	(xrf2) =	vadd.scan.msk.f32 $0xffff, v46  }
0x16f: {  	v47, _, _ =	vpop (xrf2);
	(xrf2) =	vadd.scan.msk.f32 $0xffff, v1  }
0x170: {  	v48, _, _ =	vpop (xrf2)  }
0x171: {  	(v2sf) =	vpush v47, $0xF;
	v49, _, _ =	vpop (xrf2)  }
0x172: {  	v50, _, _ =	vpop (xrf2)  }
0x173: {  	(v2sf) =	vpush v48, $0xF;
	v51, _, _ =	vpop (xrf2)  }
0x174: {  	v52, _, _ =	vpop (xrf2)  }
0x175: {  	v7, _, _ =	vpop (xrf2)  }
0x176: {  	v8, _, _ =	vpop (xrf2)  }
0x177: {  	v9, _, _ =	vpop (xrf2)  }
0x178: {  	v10, _, _ =	vpop (xrf2)  }
0x179: {  	(v2sf) =	vpush v10, $0xF;
	v53, _, _ =	vpop (xrf2)  }
0x17a: {  	(v2sf) =	vpush v53, $0xF;
	_ =	sdelay $0x5  }
0x17b: {  	v3 =	vbroadcast v49, $0xF;
	s22 =	spop (v2sf)  }
0x17c: {  	v2 =	vbroadcast v47, $0xF;
	s23 =	smul.f32 $4.000000000e+00, s22  }
0x17d: {  	vm10 =	vcmask $0x3F0C;
	v1 =	vbroadcast v48, $0xF;
	v3 =	vnsel vm1, $0x3F800000, v3;
	s9 =	spop (v2sf);
	s5 =	smul.f32 $2.000000000e+01, s22  }
0x17e: {  	vm11 =	veq.s32 v0, $0x0;
	v2 =	vsel vm10, v3, v2;
	s10 =	smul.f32 $4.000000000e+00, s9  }
0x17f: {  	vm12 =	veq.s32 v0, $0x1;
	v1 =	vnsel vm2, $0x3F800000, v1;
	s24 =	smul.f32 $2.000000000e+01, s9;
	v2 =	vsel vm11, s23, v2  }
0x180: {  	v2 =	vsel vm12, s5, v2;
	v1 =	vsel vm11, s10, v1  }
0x181: {  	v1 =	vsel vm12, s24, v1;
	(erf) = vrcp.f32 v2  }
0x182: {  	(erf) = vrcp.f32 v1  }
0x183: {  	s25 =	spop (v2sf)  }
0x184: {  	s26 =	spop (v2sf)  }
0x185: {  	s5 =	sadd.f32 s26, s25  }
0x186: {  	vm13 =	vcmask $0x3F08;
	v4 =	vbroadcast v50, $0xF  }
0x187: {  	v55 =	vbroadcast v52, $0xF;
	v56 =	vbroadcast v7, $0xF;
	v54 =	vmov s5  }
0x188: {  	v57 =	vbroadcast v8, $0xF;
	v58 =	vbroadcast v9, $0xF;
	v1 =	vnsel vm1, $0x0, v54  }
0x189: {  	v5 =	vbroadcast v51, $0xF;
	v2 =	vnsel vm2, $0x0, v56;
	v1 =	vsel vm2, v55, v1  }
0x18a: {  	vm14 =	vcmask $0x3F04;
	v2 =	vsel vm13, v2, v58;
	v59 =	vpop (erf);
	v1 =	vsel vm13, v1, v57  }
0x18b: {  	v2 =	vsel vm14, v2, v5;
	v60 =	vpop (erf);
	v1 =	vsel vm14, v1, v4  }
0x18c: {  	v61 =	vmul.u32 $0x10, v0;
	v2 =	vmul.f32 v60, v2;
	v1 =	vmul.f32 v59, v1  }
0x18d: {  	v62 =	vsel vm0, $0x3DA00000, v11;
	vm15 =	vcmask $0xB04  }
0x18e: {  	v63 =	vsel vm15, $0x3C800000, v62;
	v1 =	vadd.f32 v1, v2  }
0x18f: {  	v2 =	vsel vm1, $0x3C000000, v63  }
0x190: {  	v1 =	vmul.f32 v2, v1  }
0x191: {  	s28 =	simm.s32 $0x3010  }
0x192: {  	[tilespmem:v61+s28+$0x0] =	vst.idx.msk $0xffff, v1  }
0x193: {  	[hbm4b:s4+s7] =	stream.linear.scatter [tilespmem:s28], [sflag:$0x3], $0x1, $0x38;
	[tilespmem:$0x3090] =	vst v63  }
0x194: {  	_ =	swait.ge [sflag:s8], $0x1  }
0x195: {  	[sflag:s8] =	ssyncset.done $0x0  }
0x196: {  	s29 =	simm.s32 $0x3020;
	[sflag:s8] =	ssyncadd.s32 $0xFFFFFFFF  }
0x197: {  	[hbm4b:s3+s7] =	stream.linear.scatter [tilespmem:s29], [sflag:$0x3], $0x1, $0x38;
	[tilespmem:$0x3090] =	vst v63  }
0x198: {  	_ =	swait.ge [sflag:s8], $0x1  }
0x199: {  	[sflag:s8] =	ssyncset.done $0x0  }
0x19a: {  	s30 =	simm.s32 $0x3030;
	[sflag:s8] =	ssyncadd.s32 $0xFFFFFFFF  }
0x19b: {  	[hbm4b:s2+s7] =	stream.linear.scatter [tilespmem:s30], [sflag:$0x3], $0x1, $0x38;
	[tilespmem:$0x3090] =	vst v63  }
0x19c: {  	_ =	swait.ge [sflag:s8], $0x1  }
0x19d: {  	[sflag:s8] =	ssyncset.done $0x0  }
0x19e: {  	s31 =	simm.s32 $0x3040;
	[sflag:s8] =	ssyncadd.s32 $0xFFFFFFFF  }
0x19f: {  	[hbm4b:s1+s7] =	stream.linear.scatter [tilespmem:s31], [sflag:$0x3], $0x1, $0x38;
	[tilespmem:$0x3090] =	vst v63  }
0x1a0: {  	_ =	swait.ge [sflag:s8], $0x1  }
0x1a1: {  	[sflag:s8] =	ssyncset.done $0x0  }
0x1a2: {  	[sflag:s8] =	ssyncadd.s32 $0xFFFFFFFF  }
0x1a3: {  	_ =	sfence.sel $0x180000  }
0x1a4: {  	[bflag:$0x0] =	sbarrier.arrive $0xFFFF  }
0x1a5: {  	_ =	strace $0x90000047  }
0x1a6: {  	s0 =	sadd.s32 $0x100000, s0;
	[bflag:$0x2] =	sbarrier.arrive $0xFFFF  }
0x1a7: {  	[sflag:s0] =	ssyncadd.tile.s32 $0x1;
	_ =	shalt  }
.Lfunc_end2:
_tile_overlayer_lowered:
.L_overlay_start_2:
0x1a8: {  	(tag) =	ssettag $0x2  }
0x1a9: {  	s0 =	rddreg [dreg:$0x0];
	s2 =	stileid.u32  }
0x1aa: {  	s1 =	rddreg [dreg:$0x1];
	p0 =	sne.s32 s2, $0x0  }
0x1ab: {  	s3 =	rddreg [dreg:$0x2];
	[bflag:$0x3] =	sbarrier.arrive $0xFFFF;
	s2 =	simm.s32 @!p0 $0x1C03  }
0x1ac: {  	[timem:s3], [sflag:s2] =	dma.local @!p0 [hbm:s0], s1  }
0x1ad: {  	s0 =	simm.s32 @!p0 $0x3  }
0x1ae: {  	_ =	swait.ge @!p0 [sflag:s0], s1  }
0x1af: {  	s1 =	ssub.s32 @!p0 $0x0, s1;
	[sflag:s0] =	ssyncset.done @!p0 $0x0  }
0x1b0: {  	[sflag:s0] =	ssyncadd.s32 @!p0 s1  }
0x1b1: {  	[bflag:$0x3] =	sbarrier.arrive $0xFFFF  }
0x1b2: {  	_ =	shalt  }

</sc_bundles>
